<compile_context>
chip_gen: v7x
topology: tpu7x:2x2x1
jax: 0.10.2.dev20260603
libtpu: 0.0.44.dev20260713+nightly
codegen_flags: <defaults>
</compile_context>

<pallas_src>
import functools

import jax
import jax.numpy as jnp
from jax import lax
from jax.experimental import pallas as pl
from jax.experimental.pallas import tpu as pltpu
from jax.experimental.pallas import tpu_sc as plsc

N = 16384
D = 64
LANES = 16
NBUF = 8
GRP = 16


def _make_gather():
    info = plsc.get_sparse_core_info()
    nc, ns = info.num_cores, info.num_subcores
    nw = nc * ns
    b_per_w = N // nw
    mesh = plsc.VectorSubcoreMesh(core_axis_name="c", subcore_axis_name="s")

    @functools.partial(
        pl.kernel,
        mesh=mesh,
        out_type=jax.ShapeDtypeStruct((D, N), jnp.float32),
        scratch_types=[
            pltpu.VMEM((b_per_w,), jnp.int32),
            pltpu.VMEM((NBUF, D, 2 * D), jnp.float32),
            pltpu.VMEM((D, b_per_w), jnp.float32),
            [pltpu.SemaphoreType.DMA] * NBUF,
        ],
        compiler_params=pltpu.CompilerParams(use_tc_tiling_on_sc=True,
                                             needs_layout_passes=False),
    )
    def emb_kernel(tok_hbm, twt_hbm, post_hbm, out_hbm,
                   tok_v, grp_v, out_v, sems):
        wid = lax.axis_index("s") * nc + lax.axis_index("c")
        base = pl.multiple_of(wid * b_per_w, b_per_w)

        pltpu.sync_copy(tok_hbm.at[pl.ds(base, b_per_w)], tok_v)

        iota = lax.iota(jnp.int32, LANES)

        def fetch(t, buf):
            c128 = pl.multiple_of((t >> 7) * 128, 128)
            return pltpu.async_copy(
                twt_hbm.at[pl.ds(0, D), pl.ds(c128, 128)],
                grp_v.at[buf], sems[buf])

        tvec0 = tok_v[pl.ds(0, GRP)]
        for j in range(NBUF):
            fetch(tvec0[j], j)
        pltpu.sync_copy(post_hbm.at[pl.ds(0, D), pl.ds(base, b_per_w)], out_v)

        n_groups = b_per_w // GRP

        def body(g, c):
            goff = pl.multiple_of(g * GRP, GRP)
            tcur = tok_v[pl.ds(goff, GRP)]
            gnxt = lax.min(g + 1, n_groups - 1)
            tnxt = tok_v[pl.ds(pl.multiple_of(gnxt * GRP, GRP), GRP)]
            last = g == n_groups - 1
            for j in range(GRP):
                buf = j % NBUF
                pltpu.make_async_copy(
                    twt_hbm.at[pl.ds(0, D), pl.ds(0, 128)],
                    grp_v.at[buf], sems[buf]).wait()
                s = tcur[j] & 127
                svec = jnp.broadcast_to(s, (LANES,))
                bvec = jnp.broadcast_to(jnp.int32(buf), (LANES,))
                rvec = jnp.broadcast_to(goff + j, (LANES,))
                for cc in range(D // LANES):
                    cvec = cc * LANES + iota
                    val = plsc.load_gather(grp_v, [bvec, cvec, svec])
                    plsc.addupdate_scatter(out_v, [cvec, rvec], val)

                if j + NBUF < GRP:
                    fetch(tcur[j + NBUF], buf)
                else:
                    @pl.when(jnp.logical_not(last))
                    def _():
                        fetch(tnxt[j + NBUF - GRP], buf)
            return c

        lax.fori_loop(0, n_groups, body, 0)

        pltpu.sync_copy(out_v, out_hbm.at[pl.ds(0, D), pl.ds(base, b_per_w)])

    return emb_kernel


_emb = _make_gather()


def kernel(tokens, token_weight, pos_weight):
    out_t = _emb(tokens.astype(jnp.int32),
                 token_weight.T,
                 pos_weight.T)
    return out_t.T

# --- scband reference (transcript-rebuilt; emitter-appended) ---
"""Pipeline reference for scband-embeddings-64020782514671 (READ-ONLY COPY).

The authoritative reference and input builder live on the scoring server;
editing this copy changes nothing except your own understanding.
"""

import jax, jax.numpy as jnp
import numpy as np

VOCAB = 1000000
D = 64
MAX_LEN = 65536
N = 16384

def setup_inputs(seed: int = 0) -> dict:
    key = jax.random.key(seed)
    k_tok, k_w_tok, k_w_pos = jax.random.split(key, 3)
    tokens = jax.random.randint(k_tok, (N,), 0, VOCAB, dtype=jnp.int64 if jax.config.jax_enable_x64 else jnp.int32)
    token_weight = jax.random.normal(k_w_tok, (VOCAB, D), dtype=jnp.float32) * 0.02
    pos_weight = jax.random.normal(k_w_pos, (MAX_LEN, D), dtype=jnp.float32) * 0.01
    return {"tokens": tokens, "token_weight": token_weight, "pos_weight": pos_weight}

def reference(tokens, token_weight, pos_weight):
    n = tokens.shape[0]
    pos_ids = jnp.arange(n)
    tok_emb = jnp.take(token_weight, tokens, axis=0)
    pos_emb = jnp.take(pos_weight, pos_ids, axis=0)
    return tok_emb + pos_emb

if __name__ == "__main__":
    import jax
    _d = setup_inputs()
    print(jax.jit(kernel)(*tuple(_d.values())))

</pallas_src>

<mosaic_0001>
#map = affine_map<(d0, d1) -> (0)>
#map1 = affine_map<(d0, d1) -> (0, 0)>
module attributes {stable_mosaic.version = 14 : i64} {
  func.func @emb_kernel(%arg0: i32, %arg1: i32, %arg2: memref<16384xi32, #tpu.memory_space<hbm>>, %arg3: memref<64x1000000xf32, #tpu.memory_space<hbm>>, %arg4: memref<64x65536xf32, #tpu.memory_space<hbm>>, %arg5: memref<64x16384xf32, #tpu.memory_space<hbm>>, %arg6: memref<512xi32, #tpu.memory_space<vmem>>, %arg7: memref<8x64x128xf32, #tpu.memory_space<vmem>>, %arg8: memref<64x512xf32, #tpu.memory_space<vmem>>, %arg9: memref<!tpu.dma_semaphore, #tpu.memory_space<semaphore_mem>>, %arg10: memref<!tpu.dma_semaphore, #tpu.memory_space<semaphore_mem>>, %arg11: memref<!tpu.dma_semaphore, #tpu.memory_space<semaphore_mem>>, %arg12: memref<!tpu.dma_semaphore, #tpu.memory_space<semaphore_mem>>, %arg13: memref<!tpu.dma_semaphore, #tpu.memory_space<semaphore_mem>>, %arg14: memref<!tpu.dma_semaphore, #tpu.memory_space<semaphore_mem>>, %arg15: memref<!tpu.dma_semaphore, #tpu.memory_space<semaphore_mem>>, %arg16: memref<!tpu.dma_semaphore, #tpu.memory_space<semaphore_mem>>) attributes {dimension_semantics = [#tpu.dimension_semantics<core_parallel>, #tpu.dimension_semantics<subcore_parallel>], iteration_bounds = array<i64: 2, 16>, scalar_prefetch = 0 : i64, scratch_operands = 11 : i64, tpu.core_type = #tpu.core_type<sc_vector_subcore>, window_params = [{transform_indices = #map}, {transform_indices = #map1}, {transform_indices = #map1}, {transform_indices = #map1}]} {
    %mul3A = arith.constant 2 : i32
    %mul3A_0 = arith.muli %arg1, %mul3A : i32
    %add3A = arith.addi %mul3A_0, %arg0 : i32
    %mul3A_1 = arith.constant 512 : i32
    %mul3A_2 = arith.muli %add3A, %mul3A_1 : i32
    %multiple_of3A = tpu.assume_multiple %mul3A_2, 512 : i32
    "tpu.region"() ({
      %run_scoped3A = tpu.sem_alloc : memref<!tpu.dma_semaphore, #tpu.memory_space<semaphore_mem>>
      %dma_start3A_165 = tpu.memref_slice %arg2[%multiple_of3A] : memref<16384xi32, #tpu.memory_space<hbm>> -> memref<512xi32, #tpu.memory_space<hbm>>
      %dma_start3A_166 = tpu.memref_slice %arg2[%multiple_of3A] : memref<16384xi32, #tpu.memory_space<hbm>> -> memref<512xi32, #tpu.memory_space<hbm>>
      tpu.enqueue_dma source(%dma_start3A_166 : memref<512xi32, #tpu.memory_space<hbm>>) target(%arg6 : memref<512xi32, #tpu.memory_space<vmem>>) target_semaphore(%run_scoped3A : memref<!tpu.dma_semaphore, #tpu.memory_space<semaphore_mem>>)
      %dma_wait3A = tpu.memref_slice %arg2[%multiple_of3A] : memref<16384xi32, #tpu.memory_space<hbm>> -> memref<512xi32, #tpu.memory_space<hbm>>
      %dma_wait3A_167 = tpu.memref_slice %arg2[%multiple_of3A] : memref<16384xi32, #tpu.memory_space<hbm>> -> memref<512xi32, #tpu.memory_space<hbm>>
      tpu.wait_dma2 semaphore(%run_scoped3A : memref<!tpu.dma_semaphore, #tpu.memory_space<semaphore_mem>>) src(%dma_wait3A_167 : memref<512xi32, #tpu.memory_space<hbm>>) dst(%arg6 : memref<512xi32, #tpu.memory_space<vmem>>)
      tpu.yield
    }) : () -> ()
    %iota3A = tpu.iota {dimensions = array<i32: 0>} : vector<16xi32>
    %get3A = arith.constant 0 : index
    %get3A_3 = tpu.vector_load %arg6[%get3A] {strides = array<i32>} : memref<512xi32, #tpu.memory_space<vmem>>, vector<16xi32>,
    %slice3A = vector.extract_strided_slice %get3A_3 {offsets = [0], sizes = [1], strides = [1]} : vector<16xi32> to vector<1xi32>
    %squeeze3A = vector.extract %slice3A[0] : i32 from vector<1xi32>
    %shift_right_arithmetic3A = arith.constant 7 : i32
    %shift_right_arithmetic3A_4 = arith.shrsi %squeeze3A, %shift_right_arithmetic3A : i32
    %mul3A_5 = arith.constant 128 : i32
    %mul3A_6 = arith.muli %shift_right_arithmetic3A_4, %mul3A_5 : i32
    %multiple_of3A_7 = tpu.assume_multiple %mul3A_6, 128 : i32
    %dma_start3A = arith.constant 0 : i32
    %dma_start3A_8 = arith.constant 0 : i32
    %dma_start3A_9 = arith.constant 0 : i32
    %dma_start3A_10 = tpu.memref_slice %arg7[%dma_start3A, %dma_start3A_8, %dma_start3A_9] : memref<8x64x128xf32, #tpu.memory_space<vmem>> -> memref<1x64x128xf32, #tpu.memory_space<vmem>>
    %dma_start3A_11 = tpu.memref_squeeze %dma_start3A_10 : memref<1x64x128xf32, #tpu.memory_space<vmem>> -> memref<64x128xf32, #tpu.memory_space<vmem>>
    %dma_start3A_12 = arith.constant 0 : i32
    %dma_start3A_13 = tpu.memref_slice %arg3[%dma_start3A_12, %multiple_of3A_7] : memref<64x1000000xf32, #tpu.memory_space<hbm>> -> memref<64x128xf32, #tpu.memory_space<hbm>>
    %dma_start3A_14 = arith.constant 0 : i32
    %dma_start3A_15 = arith.constant 0 : i32
    %dma_start3A_16 = tpu.memref_slice %arg7[%dma_start3A, %dma_start3A_14, %dma_start3A_15] : memref<8x64x128xf32, #tpu.memory_space<vmem>> -> memref<1x64x128xf32, #tpu.memory_space<vmem>>
    %dma_start3A_17 = tpu.memref_squeeze %dma_start3A_16 : memref<1x64x128xf32, #tpu.memory_space<vmem>> -> memref<64x128xf32, #tpu.memory_space<vmem>>
    %dma_start3A_18 = arith.constant 0 : i32
    %dma_start3A_19 = tpu.memref_slice %arg3[%dma_start3A_18, %multiple_of3A_7] : memref<64x1000000xf32, #tpu.memory_space<hbm>> -> memref<64x128xf32, #tpu.memory_space<hbm>>
    tpu.enqueue_dma source(%dma_start3A_19 : memref<64x128xf32, #tpu.memory_space<hbm>>) target(%dma_start3A_17 : memref<64x128xf32, #tpu.memory_space<vmem>>) target_semaphore(%arg9 : memref<!tpu.dma_semaphore, #tpu.memory_space<semaphore_mem>>)
    %slice3A_20 = vector.extract_strided_slice %get3A_3 {offsets = [1], sizes = [1], strides = [1]} : vector<16xi32> to vector<1xi32>
    %squeeze3A_21 = vector.extract %slice3A_20[0] : i32 from vector<1xi32>
    %shift_right_arithmetic3A_22 = arith.constant 7 : i32
    %shift_right_arithmetic3A_23 = arith.shrsi %squeeze3A_21, %shift_right_arithmetic3A_22 : i32
    %mul3A_24 = arith.constant 128 : i32
    %mul3A_25 = arith.muli %shift_right_arithmetic3A_23, %mul3A_24 : i32
    %multiple_of3A_26 = tpu.assume_multiple %mul3A_25, 128 : i32
    %dma_start3A_27 = arith.constant 1 : i32
    %dma_start3A_28 = arith.constant 0 : i32
    %dma_start3A_29 = arith.constant 0 : i32
    %dma_start3A_30 = tpu.memref_slice %arg7[%dma_start3A_27, %dma_start3A_28, %dma_start3A_29] : memref<8x64x128xf32, #tpu.memory_space<vmem>> -> memref<1x64x128xf32, #tpu.memory_space<vmem>>
    %dma_start3A_31 = tpu.memref_squeeze %dma_start3A_30 : memref<1x64x128xf32, #tpu.memory_space<vmem>> -> memref<64x128xf32, #tpu.memory_space<vmem>>
    %dma_start3A_32 = arith.constant 0 : i32
    %dma_start3A_33 = tpu.memref_slice %arg3[%dma_start3A_32, %multiple_of3A_26] : memref<64x1000000xf32, #tpu.memory_space<hbm>> -> memref<64x128xf32, #tpu.memory_space<hbm>>
    %dma_start3A_34 = arith.constant 0 : i32
    %dma_start3A_35 = arith.constant 0 : i32
    %dma_start3A_36 = tpu.memref_slice %arg7[%dma_start3A_27, %dma_start3A_34, %dma_start3A_35] : memref<8x64x128xf32, #tpu.memory_space<vmem>> -> memref<1x64x128xf32, #tpu.memory_space<vmem>>
    %dma_start3A_37 = tpu.memref_squeeze %dma_start3A_36 : memref<1x64x128xf32, #tpu.memory_space<vmem>> -> memref<64x128xf32, #tpu.memory_space<vmem>>
    %dma_start3A_38 = arith.constant 0 : i32
    %dma_start3A_39 = tpu.memref_slice %arg3[%dma_start3A_38, %multiple_of3A_26] : memref<64x1000000xf32, #tpu.memory_space<hbm>> -> memref<64x128xf32, #tpu.memory_space<hbm>>
    tpu.enqueue_dma source(%dma_start3A_39 : memref<64x128xf32, #tpu.memory_space<hbm>>) target(%dma_start3A_37 : memref<64x128xf32, #tpu.memory_space<vmem>>) target_semaphore(%arg10 : memref<!tpu.dma_semaphore, #tpu.memory_space<semaphore_mem>>)
    %slice3A_40 = vector.extract_strided_slice %get3A_3 {offsets = [2], sizes = [1], strides = [1]} : vector<16xi32> to vector<1xi32>
    %squeeze3A_41 = vector.extract %slice3A_40[0] : i32 from vector<1xi32>
    %shift_right_arithmetic3A_42 = arith.constant 7 : i32
    %shift_right_arithmetic3A_43 = arith.shrsi %squeeze3A_41, %shift_right_arithmetic3A_42 : i32
    %mul3A_44 = arith.constant 128 : i32
    %mul3A_45 = arith.muli %shift_right_arithmetic3A_43, %mul3A_44 : i32
    %multiple_of3A_46 = tpu.assume_multiple %mul3A_45, 128 : i32
    %dma_start3A_47 = arith.constant 2 : i32
    %dma_start3A_48 = arith.constant 0 : i32
    %dma_start3A_49 = arith.constant 0 : i32
    %dma_start3A_50 = tpu.memref_slice %arg7[%dma_start3A_47, %dma_start3A_48, %dma_start3A_49] : memref<8x64x128xf32, #tpu.memory_space<vmem>> -> memref<1x64x128xf32, #tpu.memory_space<vmem>>
    %dma_start3A_51 = tpu.memref_squeeze %dma_start3A_50 : memref<1x64x128xf32, #tpu.memory_space<vmem>> -> memref<64x128xf32, #tpu.memory_space<vmem>>
    %dma_start3A_52 = arith.constant 0 : i32
    %dma_start3A_53 = tpu.memref_slice %arg3[%dma_start3A_52, %multiple_of3A_46] : memref<64x1000000xf32, #tpu.memory_space<hbm>> -> memref<64x128xf32, #tpu.memory_space<hbm>>
    %dma_start3A_54 = arith.constant 0 : i32
    %dma_start3A_55 = arith.constant 0 : i32
    %dma_start3A_56 = tpu.memref_slice %arg7[%dma_start3A_47, %dma_start3A_54, %dma_start3A_55] : memref<8x64x128xf32, #tpu.memory_space<vmem>> -> memref<1x64x128xf32, #tpu.memory_space<vmem>>
    %dma_start3A_57 = tpu.memref_squeeze %dma_start3A_56 : memref<1x64x128xf32, #tpu.memory_space<vmem>> -> memref<64x128xf32, #tpu.memory_space<vmem>>
    %dma_start3A_58 = arith.constant 0 : i32
    %dma_start3A_59 = tpu.memref_slice %arg3[%dma_start3A_58, %multiple_of3A_46] : memref<64x1000000xf32, #tpu.memory_space<hbm>> -> memref<64x128xf32, #tpu.memory_space<hbm>>
    tpu.enqueue_dma source(%dma_start3A_59 : memref<64x128xf32, #tpu.memory_space<hbm>>) target(%dma_start3A_57 : memref<64x128xf32, #tpu.memory_space<vmem>>) target_semaphore(%arg11 : memref<!tpu.dma_semaphore, #tpu.memory_space<semaphore_mem>>)
    %slice3A_60 = vector.extract_strided_slice %get3A_3 {offsets = [3], sizes = [1], strides = [1]} : vector<16xi32> to vector<1xi32>
    %squeeze3A_61 = vector.extract %slice3A_60[0] : i32 from vector<1xi32>
    %shift_right_arithmetic3A_62 = arith.constant 7 : i32
    %shift_right_arithmetic3A_63 = arith.shrsi %squeeze3A_61, %shift_right_arithmetic3A_62 : i32
    %mul3A_64 = arith.constant 128 : i32
    %mul3A_65 = arith.muli %shift_right_arithmetic3A_63, %mul3A_64 : i32
    %multiple_of3A_66 = tpu.assume_multiple %mul3A_65, 128 : i32
    %dma_start3A_67 = arith.constant 3 : i32
    %dma_start3A_68 = arith.constant 0 : i32
    %dma_start3A_69 = arith.constant 0 : i32
    %dma_start3A_70 = tpu.memref_slice %arg7[%dma_start3A_67, %dma_start3A_68, %dma_start3A_69] : memref<8x64x128xf32, #tpu.memory_space<vmem>> -> memref<1x64x128xf32, #tpu.memory_space<vmem>>
    %dma_start3A_71 = tpu.memref_squeeze %dma_start3A_70 : memref<1x64x128xf32, #tpu.memory_space<vmem>> -> memref<64x128xf32, #tpu.memory_space<vmem>>
    %dma_start3A_72 = arith.constant 0 : i32
    %dma_start3A_73 = tpu.memref_slice %arg3[%dma_start3A_72, %multiple_of3A_66] : memref<64x1000000xf32, #tpu.memory_space<hbm>> -> memref<64x128xf32, #tpu.memory_space<hbm>>
    %dma_start3A_74 = arith.constant 0 : i32
    %dma_start3A_75 = arith.constant 0 : i32
    %dma_start3A_76 = tpu.memref_slice %arg7[%dma_start3A_67, %dma_start3A_74, %dma_start3A_75] : memref<8x64x128xf32, #tpu.memory_space<vmem>> -> memref<1x64x128xf32, #tpu.memory_space<vmem>>
    %dma_start3A_77 = tpu.memref_squeeze %dma_start3A_76 : memref<1x64x128xf32, #tpu.memory_space<vmem>> -> memref<64x128xf32, #tpu.memory_space<vmem>>
    %dma_start3A_78 = arith.constant 0 : i32
    %dma_start3A_79 = tpu.memref_slice %arg3[%dma_start3A_78, %multiple_of3A_66] : memref<64x1000000xf32, #tpu.memory_space<hbm>> -> memref<64x128xf32, #tpu.memory_space<hbm>>
    tpu.enqueue_dma source(%dma_start3A_79 : memref<64x128xf32, #tpu.memory_space<hbm>>) target(%dma_start3A_77 : memref<64x128xf32, #tpu.memory_space<vmem>>) target_semaphore(%arg12 : memref<!tpu.dma_semaphore, #tpu.memory_space<semaphore_mem>>)
    %slice3A_80 = vector.extract_strided_slice %get3A_3 {offsets = [4], sizes = [1], strides = [1]} : vector<16xi32> to vector<1xi32>
    %squeeze3A_81 = vector.extract %slice3A_80[0] : i32 from vector<1xi32>
    %shift_right_arithmetic3A_82 = arith.constant 7 : i32
    %shift_right_arithmetic3A_83 = arith.shrsi %squeeze3A_81, %shift_right_arithmetic3A_82 : i32
    %mul3A_84 = arith.constant 128 : i32
    %mul3A_85 = arith.muli %shift_right_arithmetic3A_83, %mul3A_84 : i32
    %multiple_of3A_86 = tpu.assume_multiple %mul3A_85, 128 : i32
    %dma_start3A_87 = arith.constant 4 : i32
    %dma_start3A_88 = arith.constant 0 : i32
    %dma_start3A_89 = arith.constant 0 : i32
    %dma_start3A_90 = tpu.memref_slice %arg7[%dma_start3A_87, %dma_start3A_88, %dma_start3A_89] : memref<8x64x128xf32, #tpu.memory_space<vmem>> -> memref<1x64x128xf32, #tpu.memory_space<vmem>>
    %dma_start3A_91 = tpu.memref_squeeze %dma_start3A_90 : memref<1x64x128xf32, #tpu.memory_space<vmem>> -> memref<64x128xf32, #tpu.memory_space<vmem>>
    %dma_start3A_92 = arith.constant 0 : i32
    %dma_start3A_93 = tpu.memref_slice %arg3[%dma_start3A_92, %multiple_of3A_86] : memref<64x1000000xf32, #tpu.memory_space<hbm>> -> memref<64x128xf32, #tpu.memory_space<hbm>>
    %dma_start3A_94 = arith.constant 0 : i32
    %dma_start3A_95 = arith.constant 0 : i32
    %dma_start3A_96 = tpu.memref_slice %arg7[%dma_start3A_87, %dma_start3A_94, %dma_start3A_95] : memref<8x64x128xf32, #tpu.memory_space<vmem>> -> memref<1x64x128xf32, #tpu.memory_space<vmem>>
    %dma_start3A_97 = tpu.memref_squeeze %dma_start3A_96 : memref<1x64x128xf32, #tpu.memory_space<vmem>> -> memref<64x128xf32, #tpu.memory_space<vmem>>
    %dma_start3A_98 = arith.constant 0 : i32
    %dma_start3A_99 = tpu.memref_slice %arg3[%dma_start3A_98, %multiple_of3A_86] : memref<64x1000000xf32, #tpu.memory_space<hbm>> -> memref<64x128xf32, #tpu.memory_space<hbm>>
    tpu.enqueue_dma source(%dma_start3A_99 : memref<64x128xf32, #tpu.memory_space<hbm>>) target(%dma_start3A_97 : memref<64x128xf32, #tpu.memory_space<vmem>>) target_semaphore(%arg13 : memref<!tpu.dma_semaphore, #tpu.memory_space<semaphore_mem>>)
    %slice3A_100 = vector.extract_strided_slice %get3A_3 {offsets = [5], sizes = [1], strides = [1]} : vector<16xi32> to vector<1xi32>
    %squeeze3A_101 = vector.extract %slice3A_100[0] : i32 from vector<1xi32>
    %shift_right_arithmetic3A_102 = arith.constant 7 : i32
    %shift_right_arithmetic3A_103 = arith.shrsi %squeeze3A_101, %shift_right_arithmetic3A_102 : i32
    %mul3A_104 = arith.constant 128 : i32
    %mul3A_105 = arith.muli %shift_right_arithmetic3A_103, %mul3A_104 : i32
    %multiple_of3A_106 = tpu.assume_multiple %mul3A_105, 128 : i32
    %dma_start3A_107 = arith.constant 5 : i32
    %dma_start3A_108 = arith.constant 0 : i32
    %dma_start3A_109 = arith.constant 0 : i32
    %dma_start3A_110 = tpu.memref_slice %arg7[%dma_start3A_107, %dma_start3A_108, %dma_start3A_109] : memref<8x64x128xf32, #tpu.memory_space<vmem>> -> memref<1x64x128xf32, #tpu.memory_space<vmem>>
    %dma_start3A_111 = tpu.memref_squeeze %dma_start3A_110 : memref<1x64x128xf32, #tpu.memory_space<vmem>> -> memref<64x128xf32, #tpu.memory_space<vmem>>
    %dma_start3A_112 = arith.constant 0 : i32
    %dma_start3A_113 = tpu.memref_slice %arg3[%dma_start3A_112, %multiple_of3A_106] : memref<64x1000000xf32, #tpu.memory_space<hbm>> -> memref<64x128xf32, #tpu.memory_space<hbm>>
    %dma_start3A_114 = arith.constant 0 : i32
    %dma_start3A_115 = arith.constant 0 : i32
    %dma_start3A_116 = tpu.memref_slice %arg7[%dma_start3A_107, %dma_start3A_114, %dma_start3A_115] : memref<8x64x128xf32, #tpu.memory_space<vmem>> -> memref<1x64x128xf32, #tpu.memory_space<vmem>>
    %dma_start3A_117 = tpu.memref_squeeze %dma_start3A_116 : memref<1x64x128xf32, #tpu.memory_space<vmem>> -> memref<64x128xf32, #tpu.memory_space<vmem>>
    %dma_start3A_118 = arith.constant 0 : i32
    %dma_start3A_119 = tpu.memref_slice %arg3[%dma_start3A_118, %multiple_of3A_106] : memref<64x1000000xf32, #tpu.memory_space<hbm>> -> memref<64x128xf32, #tpu.memory_space<hbm>>
    tpu.enqueue_dma source(%dma_start3A_119 : memref<64x128xf32, #tpu.memory_space<hbm>>) target(%dma_start3A_117 : memref<64x128xf32, #tpu.memory_space<vmem>>) target_semaphore(%arg14 : memref<!tpu.dma_semaphore, #tpu.memory_space<semaphore_mem>>)
    %slice3A_120 = vector.extract_strided_slice %get3A_3 {offsets = [6], sizes = [1], strides = [1]} : vector<16xi32> to vector<1xi32>
    %squeeze3A_121 = vector.extract %slice3A_120[0] : i32 from vector<1xi32>
    %shift_right_arithmetic3A_122 = arith.constant 7 : i32
    %shift_right_arithmetic3A_123 = arith.shrsi %squeeze3A_121, %shift_right_arithmetic3A_122 : i32
    %mul3A_124 = arith.constant 128 : i32
    %mul3A_125 = arith.muli %shift_right_arithmetic3A_123, %mul3A_124 : i32
    %multiple_of3A_126 = tpu.assume_multiple %mul3A_125, 128 : i32
    %dma_start3A_127 = arith.constant 6 : i32
    %dma_start3A_128 = arith.constant 0 : i32
    %dma_start3A_129 = arith.constant 0 : i32
    %dma_start3A_130 = tpu.memref_slice %arg7[%dma_start3A_127, %dma_start3A_128, %dma_start3A_129] : memref<8x64x128xf32, #tpu.memory_space<vmem>> -> memref<1x64x128xf32, #tpu.memory_space<vmem>>
    %dma_start3A_131 = tpu.memref_squeeze %dma_start3A_130 : memref<1x64x128xf32, #tpu.memory_space<vmem>> -> memref<64x128xf32, #tpu.memory_space<vmem>>
    %dma_start3A_132 = arith.constant 0 : i32
    %dma_start3A_133 = tpu.memref_slice %arg3[%dma_start3A_132, %multiple_of3A_126] : memref<64x1000000xf32, #tpu.memory_space<hbm>> -> memref<64x128xf32, #tpu.memory_space<hbm>>
    %dma_start3A_134 = arith.constant 0 : i32
    %dma_start3A_135 = arith.constant 0 : i32
    %dma_start3A_136 = tpu.memref_slice %arg7[%dma_start3A_127, %dma_start3A_134, %dma_start3A_135] : memref<8x64x128xf32, #tpu.memory_space<vmem>> -> memref<1x64x128xf32, #tpu.memory_space<vmem>>
    %dma_start3A_137 = tpu.memref_squeeze %dma_start3A_136 : memref<1x64x128xf32, #tpu.memory_space<vmem>> -> memref<64x128xf32, #tpu.memory_space<vmem>>
    %dma_start3A_138 = arith.constant 0 : i32
    %dma_start3A_139 = tpu.memref_slice %arg3[%dma_start3A_138, %multiple_of3A_126] : memref<64x1000000xf32, #tpu.memory_space<hbm>> -> memref<64x128xf32, #tpu.memory_space<hbm>>
    tpu.enqueue_dma source(%dma_start3A_139 : memref<64x128xf32, #tpu.memory_space<hbm>>) target(%dma_start3A_137 : memref<64x128xf32, #tpu.memory_space<vmem>>) target_semaphore(%arg15 : memref<!tpu.dma_semaphore, #tpu.memory_space<semaphore_mem>>)
    %slice3A_140 = vector.extract_strided_slice %get3A_3 {offsets = [7], sizes = [1], strides = [1]} : vector<16xi32> to vector<1xi32>
    %squeeze3A_141 = vector.extract %slice3A_140[0] : i32 from vector<1xi32>
    %shift_right_arithmetic3A_142 = arith.constant 7 : i32
    %shift_right_arithmetic3A_143 = arith.shrsi %squeeze3A_141, %shift_right_arithmetic3A_142 : i32
    %mul3A_144 = arith.constant 128 : i32
    %mul3A_145 = arith.muli %shift_right_arithmetic3A_143, %mul3A_144 : i32
    %multiple_of3A_146 = tpu.assume_multiple %mul3A_145, 128 : i32
    %dma_start3A_147 = arith.constant 7 : i32
    %dma_start3A_148 = arith.constant 0 : i32
    %dma_start3A_149 = arith.constant 0 : i32
    %dma_start3A_150 = tpu.memref_slice %arg7[%dma_start3A_147, %dma_start3A_148, %dma_start3A_149] : memref<8x64x128xf32, #tpu.memory_space<vmem>> -> memref<1x64x128xf32, #tpu.memory_space<vmem>>
    %dma_start3A_151 = tpu.memref_squeeze %dma_start3A_150 : memref<1x64x128xf32, #tpu.memory_space<vmem>> -> memref<64x128xf32, #tpu.memory_space<vmem>>
    %dma_start3A_152 = arith.constant 0 : i32
    %dma_start3A_153 = tpu.memref_slice %arg3[%dma_start3A_152, %multiple_of3A_146] : memref<64x1000000xf32, #tpu.memory_space<hbm>> -> memref<64x128xf32, #tpu.memory_space<hbm>>
    %dma_start3A_154 = arith.constant 0 : i32
    %dma_start3A_155 = arith.constant 0 : i32
    %dma_start3A_156 = tpu.memref_slice %arg7[%dma_start3A_147, %dma_start3A_154, %dma_start3A_155] : memref<8x64x128xf32, #tpu.memory_space<vmem>> -> memref<1x64x128xf32, #tpu.memory_space<vmem>>
    %dma_start3A_157 = tpu.memref_squeeze %dma_start3A_156 : memref<1x64x128xf32, #tpu.memory_space<vmem>> -> memref<64x128xf32, #tpu.memory_space<vmem>>
    %dma_start3A_158 = arith.constant 0 : i32
    %dma_start3A_159 = tpu.memref_slice %arg3[%dma_start3A_158, %multiple_of3A_146] : memref<64x1000000xf32, #tpu.memory_space<hbm>> -> memref<64x128xf32, #tpu.memory_space<hbm>>
    tpu.enqueue_dma source(%dma_start3A_159 : memref<64x128xf32, #tpu.memory_space<hbm>>) target(%dma_start3A_157 : memref<64x128xf32, #tpu.memory_space<vmem>>) target_semaphore(%arg16 : memref<!tpu.dma_semaphore, #tpu.memory_space<semaphore_mem>>)
    "tpu.region"() ({
      %run_scoped3A = tpu.sem_alloc : memref<!tpu.dma_semaphore, #tpu.memory_space<semaphore_mem>>
      %dma_start3A_165 = arith.constant 0 : i32
      %dma_start3A_166 = tpu.memref_slice %arg4[%dma_start3A_165, %multiple_of3A] : memref<64x65536xf32, #tpu.memory_space<hbm>> -> memref<64x512xf32, #tpu.memory_space<hbm>>
      %dma_start3A_167 = arith.constant 0 : i32
      %dma_start3A_168 = tpu.memref_slice %arg4[%dma_start3A_167, %multiple_of3A] : memref<64x65536xf32, #tpu.memory_space<hbm>> -> memref<64x512xf32, #tpu.memory_space<hbm>>
      tpu.enqueue_dma source(%dma_start3A_168 : memref<64x512xf32, #tpu.memory_space<hbm>>) target(%arg8 : memref<64x512xf32, #tpu.memory_space<vmem>>) target_semaphore(%run_scoped3A : memref<!tpu.dma_semaphore, #tpu.memory_space<semaphore_mem>>)
      %dma_wait3A = arith.constant 0 : i32
      %dma_wait3A_169 = tpu.memref_slice %arg4[%dma_wait3A, %multiple_of3A] : memref<64x65536xf32, #tpu.memory_space<hbm>> -> memref<64x512xf32, #tpu.memory_space<hbm>>
      %dma_wait3A_170 = arith.constant 0 : i32
      %dma_wait3A_171 = tpu.memref_slice %arg4[%dma_wait3A_170, %multiple_of3A] : memref<64x65536xf32, #tpu.memory_space<hbm>> -> memref<64x512xf32, #tpu.memory_space<hbm>>
      tpu.wait_dma2 semaphore(%run_scoped3A : memref<!tpu.dma_semaphore, #tpu.memory_space<semaphore_mem>>) src(%dma_wait3A_171 : memref<64x512xf32, #tpu.memory_space<hbm>>) dst(%arg8 : memref<64x512xf32, #tpu.memory_space<vmem>>)
      tpu.yield
    }) : () -> ()
    %scan3A = arith.constant 0 : i32
    %scan3A_160 = arith.constant 0 : i32
    %scan3A_161 = arith.constant 32 : i32
    %scan3A_162 = arith.addi %scan3A_160, %scan3A_161 : i32
    %scan3A_163 = arith.constant 1 : i32
    scf.for %scan3A_165 = %scan3A_160 to %scan3A_162 step %scan3A_163  : i32 {
      %mul3A_166 = arith.constant 16 : i32
      %mul3A_167 = arith.muli %scan3A_165, %mul3A_166 : i32
      %multiple_of3A_168 = tpu.assume_multiple %mul3A_167, 16 : i32
      %get3A_169 = arith.index_cast %multiple_of3A_168 : i32 to index
      %get3A_170 = tpu.vector_load %arg6[%get3A_169] {strides = array<i32>} : memref<512xi32, #tpu.memory_space<vmem>>, vector<16xi32>,
      %add3A_171 = arith.constant 1 : i32
      %add3A_172 = arith.addi %scan3A_165, %add3A_171 : i32
      %min3A = arith.constant 31 : i32
      %min3A_173 = arith.minsi %add3A_172, %min3A : i32
      %mul3A_174 = arith.constant 16 : i32
      %mul3A_175 = arith.muli %min3A_173, %mul3A_174 : i32
      %multiple_of3A_176 = tpu.assume_multiple %mul3A_175, 16 : i32
      %get3A_177 = arith.index_cast %multiple_of3A_176 : i32 to index
      %get3A_178 = tpu.vector_load %arg6[%get3A_177] {strides = array<i32>} : memref<512xi32, #tpu.memory_space<vmem>>, vector<16xi32>,
      %eq3A = arith.constant 31 : i32
      %eq3A_179 = arith.cmpi eq, %scan3A_165, %eq3A : i32
      %dma_wait3A = arith.constant 0 : i32
      %dma_wait3A_180 = arith.constant 0 : i32
      %dma_wait3A_181 = arith.constant 0 : i32
      %dma_wait3A_182 = tpu.memref_slice %arg7[%dma_wait3A, %dma_wait3A_180, %dma_wait3A_181] : memref<8x64x128xf32, #tpu.memory_space<vmem>> -> memref<1x64x128xf32, #tpu.memory_space<vmem>>
      %dma_wait3A_183 = tpu.memref_squeeze %dma_wait3A_182 : memref<1x64x128xf32, #tpu.memory_space<vmem>> -> memref<64x128xf32, #tpu.memory_space<vmem>>
      %dma_wait3A_184 = arith.constant 0 : i32
      %dma_wait3A_185 = arith.constant 0 : i32
      %dma_wait3A_186 = tpu.memref_slice %arg3[%dma_wait3A_184, %dma_wait3A_185] : memref<64x1000000xf32, #tpu.memory_space<hbm>> -> memref<64x128xf32, #tpu.memory_space<hbm>>
      %dma_wait3A_187 = arith.constant 0 : i32
      %dma_wait3A_188 = arith.constant 0 : i32
      %dma_wait3A_189 = tpu.memref_slice %arg7[%dma_wait3A, %dma_wait3A_187, %dma_wait3A_188] : memref<8x64x128xf32, #tpu.memory_space<vmem>> -> memref<1x64x128xf32, #tpu.memory_space<vmem>>
      %dma_wait3A_190 = tpu.memref_squeeze %dma_wait3A_189 : memref<1x64x128xf32, #tpu.memory_space<vmem>> -> memref<64x128xf32, #tpu.memory_space<vmem>>
      %dma_wait3A_191 = arith.constant 0 : i32
      %dma_wait3A_192 = arith.constant 0 : i32
      %dma_wait3A_193 = tpu.memref_slice %arg3[%dma_wait3A_191, %dma_wait3A_192] : memref<64x1000000xf32, #tpu.memory_space<hbm>> -> memref<64x128xf32, #tpu.memory_space<hbm>>
      tpu.wait_dma2 semaphore(%arg9 : memref<!tpu.dma_semaphore, #tpu.memory_space<semaphore_mem>>) src(%dma_wait3A_193 : memref<64x128xf32, #tpu.memory_space<hbm>>) dst(%dma_wait3A_190 : memref<64x128xf32, #tpu.memory_space<vmem>>)
      %slice3A_194 = vector.extract_strided_slice %get3A_170 {offsets = [0], sizes = [1], strides = [1]} : vector<16xi32> to vector<1xi32>
      %squeeze3A_195 = vector.extract %slice3A_194[0] : i32 from vector<1xi32>
      %and3A = arith.constant 127 : i32
      %and3A_196 = arith.andi %squeeze3A_195, %and3A : i32
      %broadcast_in_dim3A = vector.broadcast %and3A_196 : i32 to vector<16xi32>
      %broadcast_in_dim3A_197 = arith.constant 0 : i32
      %broadcast_in_dim3A_198 = vector.broadcast %broadcast_in_dim3A_197 : i32 to vector<16xi32>
      %add3A_199 = arith.constant 0 : i32
      %add3A_200 = arith.addi %multiple_of3A_168, %add3A_199 : i32
      %broadcast_in_dim3A_201 = vector.broadcast %add3A_200 : i32 to vector<16xi32>
      %add3A_202 = arith.constant 0 : i32
      %add3A_203 = vector.broadcast %add3A_202 : i32 to vector<16xi32>
      %add3A_204 = arith.addi %add3A_203, %iota3A : vector<16xi32>
      %gather3A = tpu.vector_load_idx %arg7[%broadcast_in_dim3A_198, %add3A_204, %broadcast_in_dim3A] : memref<8x64x128xf32, #tpu.memory_space<vmem>>[vector<16xi32>, vector<16xi32>, vector<16xi32>], vector<16xf32>,
      tpu.vector_store_idx %arg8[%add3A_204, %broadcast_in_dim3A_201], %gather3A {add = true} : memref<64x512xf32, #tpu.memory_space<vmem>>[vector<16xi32>, vector<16xi32>], vector<16xf32>,
      %add3A_205 = arith.constant 16 : i32
      %add3A_206 = vector.broadcast %add3A_205 : i32 to vector<16xi32>
      %add3A_207 = arith.addi %add3A_206, %iota3A : vector<16xi32>
      %gather3A_208 = tpu.vector_load_idx %arg7[%broadcast_in_dim3A_198, %add3A_207, %broadcast_in_dim3A] : memref<8x64x128xf32, #tpu.memory_space<vmem>>[vector<16xi32>, vector<16xi32>, vector<16xi32>], vector<16xf32>,
      tpu.vector_store_idx %arg8[%add3A_207, %broadcast_in_dim3A_201], %gather3A_208 {add = true} : memref<64x512xf32, #tpu.memory_space<vmem>>[vector<16xi32>, vector<16xi32>], vector<16xf32>,
      %add3A_209 = arith.constant 32 : i32
      %add3A_210 = vector.broadcast %add3A_209 : i32 to vector<16xi32>
      %add3A_211 = arith.addi %add3A_210, %iota3A : vector<16xi32>
      %gather3A_212 = tpu.vector_load_idx %arg7[%broadcast_in_dim3A_198, %add3A_211, %broadcast_in_dim3A] : memref<8x64x128xf32, #tpu.memory_space<vmem>>[vector<16xi32>, vector<16xi32>, vector<16xi32>], vector<16xf32>,
      tpu.vector_store_idx %arg8[%add3A_211, %broadcast_in_dim3A_201], %gather3A_212 {add = true} : memref<64x512xf32, #tpu.memory_space<vmem>>[vector<16xi32>, vector<16xi32>], vector<16xf32>,
      %add3A_213 = arith.constant 48 : i32
      %add3A_214 = vector.broadcast %add3A_213 : i32 to vector<16xi32>
      %add3A_215 = arith.addi %add3A_214, %iota3A : vector<16xi32>
      %gather3A_216 = tpu.vector_load_idx %arg7[%broadcast_in_dim3A_198, %add3A_215, %broadcast_in_dim3A] : memref<8x64x128xf32, #tpu.memory_space<vmem>>[vector<16xi32>, vector<16xi32>, vector<16xi32>], vector<16xf32>,
      tpu.vector_store_idx %arg8[%add3A_215, %broadcast_in_dim3A_201], %gather3A_216 {add = true} : memref<64x512xf32, #tpu.memory_space<vmem>>[vector<16xi32>, vector<16xi32>], vector<16xf32>,
      %slice3A_217 = vector.extract_strided_slice %get3A_170 {offsets = [8], sizes = [1], strides = [1]} : vector<16xi32> to vector<1xi32>
      %squeeze3A_218 = vector.extract %slice3A_217[0] : i32 from vector<1xi32>
      %shift_right_arithmetic3A_219 = arith.constant 7 : i32
      %shift_right_arithmetic3A_220 = arith.shrsi %squeeze3A_218, %shift_right_arithmetic3A_219 : i32
      %mul3A_221 = arith.constant 128 : i32
      %mul3A_222 = arith.muli %shift_right_arithmetic3A_220, %mul3A_221 : i32
      %multiple_of3A_223 = tpu.assume_multiple %mul3A_222, 128 : i32
      %dma_start3A_224 = arith.constant 0 : i32
      %dma_start3A_225 = arith.constant 0 : i32
      %dma_start3A_226 = arith.constant 0 : i32
      %dma_start3A_227 = tpu.memref_slice %arg7[%dma_start3A_224, %dma_start3A_225, %dma_start3A_226] : memref<8x64x128xf32, #tpu.memory_space<vmem>> -> memref<1x64x128xf32, #tpu.memory_space<vmem>>
      %dma_start3A_228 = tpu.memref_squeeze %dma_start3A_227 : memref<1x64x128xf32, #tpu.memory_space<vmem>> -> memref<64x128xf32, #tpu.memory_space<vmem>>
      %dma_start3A_229 = arith.constant 0 : i32
      %dma_start3A_230 = tpu.memref_slice %arg3[%dma_start3A_229, %multiple_of3A_223] : memref<64x1000000xf32, #tpu.memory_space<hbm>> -> memref<64x128xf32, #tpu.memory_space<hbm>>
      %dma_start3A_231 = arith.constant 0 : i32
      %dma_start3A_232 = arith.constant 0 : i32
      %dma_start3A_233 = tpu.memref_slice %arg7[%dma_start3A_224, %dma_start3A_231, %dma_start3A_232] : memref<8x64x128xf32, #tpu.memory_space<vmem>> -> memref<1x64x128xf32, #tpu.memory_space<vmem>>
      %dma_start3A_234 = tpu.memref_squeeze %dma_start3A_233 : memref<1x64x128xf32, #tpu.memory_space<vmem>> -> memref<64x128xf32, #tpu.memory_space<vmem>>
      %dma_start3A_235 = arith.constant 0 : i32
      %dma_start3A_236 = tpu.memref_slice %arg3[%dma_start3A_235, %multiple_of3A_223] : memref<64x1000000xf32, #tpu.memory_space<hbm>> -> memref<64x128xf32, #tpu.memory_space<hbm>>
      tpu.enqueue_dma source(%dma_start3A_236 : memref<64x128xf32, #tpu.memory_space<hbm>>) target(%dma_start3A_234 : memref<64x128xf32, #tpu.memory_space<vmem>>) target_semaphore(%arg9 : memref<!tpu.dma_semaphore, #tpu.memory_space<semaphore_mem>>)
      %dma_wait3A_237 = arith.constant 1 : i32
      %dma_wait3A_238 = arith.constant 0 : i32
      %dma_wait3A_239 = arith.constant 0 : i32
      %dma_wait3A_240 = tpu.memref_slice %arg7[%dma_wait3A_237, %dma_wait3A_238, %dma_wait3A_239] : memref<8x64x128xf32, #tpu.memory_space<vmem>> -> memref<1x64x128xf32, #tpu.memory_space<vmem>>
      %dma_wait3A_241 = tpu.memref_squeeze %dma_wait3A_240 : memref<1x64x128xf32, #tpu.memory_space<vmem>> -> memref<64x128xf32, #tpu.memory_space<vmem>>
      %dma_wait3A_242 = arith.constant 0 : i32
      %dma_wait3A_243 = arith.constant 0 : i32
      %dma_wait3A_244 = tpu.memref_slice %arg3[%dma_wait3A_242, %dma_wait3A_243] : memref<64x1000000xf32, #tpu.memory_space<hbm>> -> memref<64x128xf32, #tpu.memory_space<hbm>>
      %dma_wait3A_245 = arith.constant 0 : i32
      %dma_wait3A_246 = arith.constant 0 : i32
      %dma_wait3A_247 = tpu.memref_slice %arg7[%dma_wait3A_237, %dma_wait3A_245, %dma_wait3A_246] : memref<8x64x128xf32, #tpu.memory_space<vmem>> -> memref<1x64x128xf32, #tpu.memory_space<vmem>>
      %dma_wait3A_248 = tpu.memref_squeeze %dma_wait3A_247 : memref<1x64x128xf32, #tpu.memory_space<vmem>> -> memref<64x128xf32, #tpu.memory_space<vmem>>
      %dma_wait3A_249 = arith.constant 0 : i32
      %dma_wait3A_250 = arith.constant 0 : i32
      %dma_wait3A_251 = tpu.memref_slice %arg3[%dma_wait3A_249, %dma_wait3A_250] : memref<64x1000000xf32, #tpu.memory_space<hbm>> -> memref<64x128xf32, #tpu.memory_space<hbm>>
      tpu.wait_dma2 semaphore(%arg10 : memref<!tpu.dma_semaphore, #tpu.memory_space<semaphore_mem>>) src(%dma_wait3A_251 : memref<64x128xf32, #tpu.memory_space<hbm>>) dst(%dma_wait3A_248 : memref<64x128xf32, #tpu.memory_space<vmem>>)
      %slice3A_252 = vector.extract_strided_slice %get3A_170 {offsets = [1], sizes = [1], strides = [1]} : vector<16xi32> to vector<1xi32>
      %squeeze3A_253 = vector.extract %slice3A_252[0] : i32 from vector<1xi32>
      %and3A_254 = arith.constant 127 : i32
      %and3A_255 = arith.andi %squeeze3A_253, %and3A_254 : i32
      %broadcast_in_dim3A_256 = vector.broadcast %and3A_255 : i32 to vector<16xi32>
      %broadcast_in_dim3A_257 = arith.constant 1 : i32
      %broadcast_in_dim3A_258 = vector.broadcast %broadcast_in_dim3A_257 : i32 to vector<16xi32>
      %add3A_259 = arith.constant 1 : i32
      %add3A_260 = arith.addi %multiple_of3A_168, %add3A_259 : i32
      %broadcast_in_dim3A_261 = vector.broadcast %add3A_260 : i32 to vector<16xi32>
      %add3A_262 = arith.constant 0 : i32
      %add3A_263 = vector.broadcast %add3A_262 : i32 to vector<16xi32>
      %add3A_264 = arith.addi %add3A_263, %iota3A : vector<16xi32>
      %gather3A_265 = tpu.vector_load_idx %arg7[%broadcast_in_dim3A_258, %add3A_264, %broadcast_in_dim3A_256] : memref<8x64x128xf32, #tpu.memory_space<vmem>>[vector<16xi32>, vector<16xi32>, vector<16xi32>], vector<16xf32>,
      tpu.vector_store_idx %arg8[%add3A_264, %broadcast_in_dim3A_261], %gather3A_265 {add = true} : memref<64x512xf32, #tpu.memory_space<vmem>>[vector<16xi32>, vector<16xi32>], vector<16xf32>,
      %add3A_266 = arith.constant 16 : i32
      %add3A_267 = vector.broadcast %add3A_266 : i32 to vector<16xi32>
      %add3A_268 = arith.addi %add3A_267, %iota3A : vector<16xi32>
      %gather3A_269 = tpu.vector_load_idx %arg7[%broadcast_in_dim3A_258, %add3A_268, %broadcast_in_dim3A_256] : memref<8x64x128xf32, #tpu.memory_space<vmem>>[vector<16xi32>, vector<16xi32>, vector<16xi32>], vector<16xf32>,
      tpu.vector_store_idx %arg8[%add3A_268, %broadcast_in_dim3A_261], %gather3A_269 {add = true} : memref<64x512xf32, #tpu.memory_space<vmem>>[vector<16xi32>, vector<16xi32>], vector<16xf32>,
      %add3A_270 = arith.constant 32 : i32
      %add3A_271 = vector.broadcast %add3A_270 : i32 to vector<16xi32>
      %add3A_272 = arith.addi %add3A_271, %iota3A : vector<16xi32>
      %gather3A_273 = tpu.vector_load_idx %arg7[%broadcast_in_dim3A_258, %add3A_272, %broadcast_in_dim3A_256] : memref<8x64x128xf32, #tpu.memory_space<vmem>>[vector<16xi32>, vector<16xi32>, vector<16xi32>], vector<16xf32>,
      tpu.vector_store_idx %arg8[%add3A_272, %broadcast_in_dim3A_261], %gather3A_273 {add = true} : memref<64x512xf32, #tpu.memory_space<vmem>>[vector<16xi32>, vector<16xi32>], vector<16xf32>,
      %add3A_274 = arith.constant 48 : i32
      %add3A_275 = vector.broadcast %add3A_274 : i32 to vector<16xi32>
      %add3A_276 = arith.addi %add3A_275, %iota3A : vector<16xi32>
      %gather3A_277 = tpu.vector_load_idx %arg7[%broadcast_in_dim3A_258, %add3A_276, %broadcast_in_dim3A_256] : memref<8x64x128xf32, #tpu.memory_space<vmem>>[vector<16xi32>, vector<16xi32>, vector<16xi32>], vector<16xf32>,
      tpu.vector_store_idx %arg8[%add3A_276, %broadcast_in_dim3A_261], %gather3A_277 {add = true} : memref<64x512xf32, #tpu.memory_space<vmem>>[vector<16xi32>, vector<16xi32>], vector<16xf32>,
      %slice3A_278 = vector.extract_strided_slice %get3A_170 {offsets = [9], sizes = [1], strides = [1]} : vector<16xi32> to vector<1xi32>
      %squeeze3A_279 = vector.extract %slice3A_278[0] : i32 from vector<1xi32>
      %shift_right_arithmetic3A_280 = arith.constant 7 : i32
      %shift_right_arithmetic3A_281 = arith.shrsi %squeeze3A_279, %shift_right_arithmetic3A_280 : i32
      %mul3A_282 = arith.constant 128 : i32
      %mul3A_283 = arith.muli %shift_right_arithmetic3A_281, %mul3A_282 : i32
      %multiple_of3A_284 = tpu.assume_multiple %mul3A_283, 128 : i32
      %dma_start3A_285 = arith.constant 1 : i32
      %dma_start3A_286 = arith.constant 0 : i32
      %dma_start3A_287 = arith.constant 0 : i32
      %dma_start3A_288 = tpu.memref_slice %arg7[%dma_start3A_285, %dma_start3A_286, %dma_start3A_287] : memref<8x64x128xf32, #tpu.memory_space<vmem>> -> memref<1x64x128xf32, #tpu.memory_space<vmem>>
      %dma_start3A_289 = tpu.memref_squeeze %dma_start3A_288 : memref<1x64x128xf32, #tpu.memory_space<vmem>> -> memref<64x128xf32, #tpu.memory_space<vmem>>
      %dma_start3A_290 = arith.constant 0 : i32
      %dma_start3A_291 = tpu.memref_slice %arg3[%dma_start3A_290, %multiple_of3A_284] : memref<64x1000000xf32, #tpu.memory_space<hbm>> -> memref<64x128xf32, #tpu.memory_space<hbm>>
      %dma_start3A_292 = arith.constant 0 : i32
      %dma_start3A_293 = arith.constant 0 : i32
      %dma_start3A_294 = tpu.memref_slice %arg7[%dma_start3A_285, %dma_start3A_292, %dma_start3A_293] : memref<8x64x128xf32, #tpu.memory_space<vmem>> -> memref<1x64x128xf32, #tpu.memory_space<vmem>>
      %dma_start3A_295 = tpu.memref_squeeze %dma_start3A_294 : memref<1x64x128xf32, #tpu.memory_space<vmem>> -> memref<64x128xf32, #tpu.memory_space<vmem>>
      %dma_start3A_296 = arith.constant 0 : i32
      %dma_start3A_297 = tpu.memref_slice %arg3[%dma_start3A_296, %multiple_of3A_284] : memref<64x1000000xf32, #tpu.memory_space<hbm>> -> memref<64x128xf32, #tpu.memory_space<hbm>>
      tpu.enqueue_dma source(%dma_start3A_297 : memref<64x128xf32, #tpu.memory_space<hbm>>) target(%dma_start3A_295 : memref<64x128xf32, #tpu.memory_space<vmem>>) target_semaphore(%arg10 : memref<!tpu.dma_semaphore, #tpu.memory_space<semaphore_mem>>)
      %dma_wait3A_298 = arith.constant 2 : i32
      %dma_wait3A_299 = arith.constant 0 : i32
      %dma_wait3A_300 = arith.constant 0 : i32
      %dma_wait3A_301 = tpu.memref_slice %arg7[%dma_wait3A_298, %dma_wait3A_299, %dma_wait3A_300] : memref<8x64x128xf32, #tpu.memory_space<vmem>> -> memref<1x64x128xf32, #tpu.memory_space<vmem>>
      %dma_wait3A_302 = tpu.memref_squeeze %dma_wait3A_301 : memref<1x64x128xf32, #tpu.memory_space<vmem>> -> memref<64x128xf32, #tpu.memory_space<vmem>>
      %dma_wait3A_303 = arith.constant 0 : i32
      %dma_wait3A_304 = arith.constant 0 : i32
      %dma_wait3A_305 = tpu.memref_slice %arg3[%dma_wait3A_303, %dma_wait3A_304] : memref<64x1000000xf32, #tpu.memory_space<hbm>> -> memref<64x128xf32, #tpu.memory_space<hbm>>
      %dma_wait3A_306 = arith.constant 0 : i32
      %dma_wait3A_307 = arith.constant 0 : i32
      %dma_wait3A_308 = tpu.memref_slice %arg7[%dma_wait3A_298, %dma_wait3A_306, %dma_wait3A_307] : memref<8x64x128xf32, #tpu.memory_space<vmem>> -> memref<1x64x128xf32, #tpu.memory_space<vmem>>
      %dma_wait3A_309 = tpu.memref_squeeze %dma_wait3A_308 : memref<1x64x128xf32, #tpu.memory_space<vmem>> -> memref<64x128xf32, #tpu.memory_space<vmem>>
      %dma_wait3A_310 = arith.constant 0 : i32
      %dma_wait3A_311 = arith.constant 0 : i32
      %dma_wait3A_312 = tpu.memref_slice %arg3[%dma_wait3A_310, %dma_wait3A_311] : memref<64x1000000xf32, #tpu.memory_space<hbm>> -> memref<64x128xf32, #tpu.memory_space<hbm>>
      tpu.wait_dma2 semaphore(%arg11 : memref<!tpu.dma_semaphore, #tpu.memory_space<semaphore_mem>>) src(%dma_wait3A_312 : memref<64x128xf32, #tpu.memory_space<hbm>>) dst(%dma_wait3A_309 : memref<64x128xf32, #tpu.memory_space<vmem>>)
      %slice3A_313 = vector.extract_strided_slice %get3A_170 {offsets = [2], sizes = [1], strides = [1]} : vector<16xi32> to vector<1xi32>
      %squeeze3A_314 = vector.extract %slice3A_313[0] : i32 from vector<1xi32>
      %and3A_315 = arith.constant 127 : i32
      %and3A_316 = arith.andi %squeeze3A_314, %and3A_315 : i32
      %broadcast_in_dim3A_317 = vector.broadcast %and3A_316 : i32 to vector<16xi32>
      %broadcast_in_dim3A_318 = arith.constant 2 : i32
      %broadcast_in_dim3A_319 = vector.broadcast %broadcast_in_dim3A_318 : i32 to vector<16xi32>
      %add3A_320 = arith.constant 2 : i32
      %add3A_321 = arith.addi %multiple_of3A_168, %add3A_320 : i32
      %broadcast_in_dim3A_322 = vector.broadcast %add3A_321 : i32 to vector<16xi32>
      %add3A_323 = arith.constant 0 : i32
      %add3A_324 = vector.broadcast %add3A_323 : i32 to vector<16xi32>
      %add3A_325 = arith.addi %add3A_324, %iota3A : vector<16xi32>
      %gather3A_326 = tpu.vector_load_idx %arg7[%broadcast_in_dim3A_319, %add3A_325, %broadcast_in_dim3A_317] : memref<8x64x128xf32, #tpu.memory_space<vmem>>[vector<16xi32>, vector<16xi32>, vector<16xi32>], vector<16xf32>,
      tpu.vector_store_idx %arg8[%add3A_325, %broadcast_in_dim3A_322], %gather3A_326 {add = true} : memref<64x512xf32, #tpu.memory_space<vmem>>[vector<16xi32>, vector<16xi32>], vector<16xf32>,
      %add3A_327 = arith.constant 16 : i32
      %add3A_328 = vector.broadcast %add3A_327 : i32 to vector<16xi32>
      %add3A_329 = arith.addi %add3A_328, %iota3A : vector<16xi32>
      %gather3A_330 = tpu.vector_load_idx %arg7[%broadcast_in_dim3A_319, %add3A_329, %broadcast_in_dim3A_317] : memref<8x64x128xf32, #tpu.memory_space<vmem>>[vector<16xi32>, vector<16xi32>, vector<16xi32>], vector<16xf32>,
      tpu.vector_store_idx %arg8[%add3A_329, %broadcast_in_dim3A_322], %gather3A_330 {add = true} : memref<64x512xf32, #tpu.memory_space<vmem>>[vector<16xi32>, vector<16xi32>], vector<16xf32>,
      %add3A_331 = arith.constant 32 : i32
      %add3A_332 = vector.broadcast %add3A_331 : i32 to vector<16xi32>
      %add3A_333 = arith.addi %add3A_332, %iota3A : vector<16xi32>
      %gather3A_334 = tpu.vector_load_idx %arg7[%broadcast_in_dim3A_319, %add3A_333, %broadcast_in_dim3A_317] : memref<8x64x128xf32, #tpu.memory_space<vmem>>[vector<16xi32>, vector<16xi32>, vector<16xi32>], vector<16xf32>,
      tpu.vector_store_idx %arg8[%add3A_333, %broadcast_in_dim3A_322], %gather3A_334 {add = true} : memref<64x512xf32, #tpu.memory_space<vmem>>[vector<16xi32>, vector<16xi32>], vector<16xf32>,
      %add3A_335 = arith.constant 48 : i32
      %add3A_336 = vector.broadcast %add3A_335 : i32 to vector<16xi32>
      %add3A_337 = arith.addi %add3A_336, %iota3A : vector<16xi32>
      %gather3A_338 = tpu.vector_load_idx %arg7[%broadcast_in_dim3A_319, %add3A_337, %broadcast_in_dim3A_317] : memref<8x64x128xf32, #tpu.memory_space<vmem>>[vector<16xi32>, vector<16xi32>, vector<16xi32>], vector<16xf32>,
      tpu.vector_store_idx %arg8[%add3A_337, %broadcast_in_dim3A_322], %gather3A_338 {add = true} : memref<64x512xf32, #tpu.memory_space<vmem>>[vector<16xi32>, vector<16xi32>], vector<16xf32>,
      %slice3A_339 = vector.extract_strided_slice %get3A_170 {offsets = [10], sizes = [1], strides = [1]} : vector<16xi32> to vector<1xi32>
      %squeeze3A_340 = vector.extract %slice3A_339[0] : i32 from vector<1xi32>
      %shift_right_arithmetic3A_341 = arith.constant 7 : i32
      %shift_right_arithmetic3A_342 = arith.shrsi %squeeze3A_340, %shift_right_arithmetic3A_341 : i32
      %mul3A_343 = arith.constant 128 : i32
      %mul3A_344 = arith.muli %shift_right_arithmetic3A_342, %mul3A_343 : i32
      %multiple_of3A_345 = tpu.assume_multiple %mul3A_344, 128 : i32
      %dma_start3A_346 = arith.constant 2 : i32
      %dma_start3A_347 = arith.constant 0 : i32
      %dma_start3A_348 = arith.constant 0 : i32
      %dma_start3A_349 = tpu.memref_slice %arg7[%dma_start3A_346, %dma_start3A_347, %dma_start3A_348] : memref<8x64x128xf32, #tpu.memory_space<vmem>> -> memref<1x64x128xf32, #tpu.memory_space<vmem>>
      %dma_start3A_350 = tpu.memref_squeeze %dma_start3A_349 : memref<1x64x128xf32, #tpu.memory_space<vmem>> -> memref<64x128xf32, #tpu.memory_space<vmem>>
      %dma_start3A_351 = arith.constant 0 : i32
      %dma_start3A_352 = tpu.memref_slice %arg3[%dma_start3A_351, %multiple_of3A_345] : memref<64x1000000xf32, #tpu.memory_space<hbm>> -> memref<64x128xf32, #tpu.memory_space<hbm>>
      %dma_start3A_353 = arith.constant 0 : i32
      %dma_start3A_354 = arith.constant 0 : i32
      %dma_start3A_355 = tpu.memref_slice %arg7[%dma_start3A_346, %dma_start3A_353, %dma_start3A_354] : memref<8x64x128xf32, #tpu.memory_space<vmem>> -> memref<1x64x128xf32, #tpu.memory_space<vmem>>
      %dma_start3A_356 = tpu.memref_squeeze %dma_start3A_355 : memref<1x64x128xf32, #tpu.memory_space<vmem>> -> memref<64x128xf32, #tpu.memory_space<vmem>>
      %dma_start3A_357 = arith.constant 0 : i32
      %dma_start3A_358 = tpu.memref_slice %arg3[%dma_start3A_357, %multiple_of3A_345] : memref<64x1000000xf32, #tpu.memory_space<hbm>> -> memref<64x128xf32, #tpu.memory_space<hbm>>
      tpu.enqueue_dma source(%dma_start3A_358 : memref<64x128xf32, #tpu.memory_space<hbm>>) target(%dma_start3A_356 : memref<64x128xf32, #tpu.memory_space<vmem>>) target_semaphore(%arg11 : memref<!tpu.dma_semaphore, #tpu.memory_space<semaphore_mem>>)
      %dma_wait3A_359 = arith.constant 3 : i32
      %dma_wait3A_360 = arith.constant 0 : i32
      %dma_wait3A_361 = arith.constant 0 : i32
      %dma_wait3A_362 = tpu.memref_slice %arg7[%dma_wait3A_359, %dma_wait3A_360, %dma_wait3A_361] : memref<8x64x128xf32, #tpu.memory_space<vmem>> -> memref<1x64x128xf32, #tpu.memory_space<vmem>>
      %dma_wait3A_363 = tpu.memref_squeeze %dma_wait3A_362 : memref<1x64x128xf32, #tpu.memory_space<vmem>> -> memref<64x128xf32, #tpu.memory_space<vmem>>
      %dma_wait3A_364 = arith.constant 0 : i32
      %dma_wait3A_365 = arith.constant 0 : i32
      %dma_wait3A_366 = tpu.memref_slice %arg3[%dma_wait3A_364, %dma_wait3A_365] : memref<64x1000000xf32, #tpu.memory_space<hbm>> -> memref<64x128xf32, #tpu.memory_space<hbm>>
      %dma_wait3A_367 = arith.constant 0 : i32
      %dma_wait3A_368 = arith.constant 0 : i32
      %dma_wait3A_369 = tpu.memref_slice %arg7[%dma_wait3A_359, %dma_wait3A_367, %dma_wait3A_368] : memref<8x64x128xf32, #tpu.memory_space<vmem>> -> memref<1x64x128xf32, #tpu.memory_space<vmem>>
      %dma_wait3A_370 = tpu.memref_squeeze %dma_wait3A_369 : memref<1x64x128xf32, #tpu.memory_space<vmem>> -> memref<64x128xf32, #tpu.memory_space<vmem>>
      %dma_wait3A_371 = arith.constant 0 : i32
      %dma_wait3A_372 = arith.constant 0 : i32
      %dma_wait3A_373 = tpu.memref_slice %arg3[%dma_wait3A_371, %dma_wait3A_372] : memref<64x1000000xf32, #tpu.memory_space<hbm>> -> memref<64x128xf32, #tpu.memory_space<hbm>>
      tpu.wait_dma2 semaphore(%arg12 : memref<!tpu.dma_semaphore, #tpu.memory_space<semaphore_mem>>) src(%dma_wait3A_373 : memref<64x128xf32, #tpu.memory_space<hbm>>) dst(%dma_wait3A_370 : memref<64x128xf32, #tpu.memory_space<vmem>>)
      %slice3A_374 = vector.extract_strided_slice %get3A_170 {offsets = [3], sizes = [1], strides = [1]} : vector<16xi32> to vector<1xi32>
      %squeeze3A_375 = vector.extract %slice3A_374[0] : i32 from vector<1xi32>
      %and3A_376 = arith.constant 127 : i32
      %and3A_377 = arith.andi %squeeze3A_375, %and3A_376 : i32
      %broadcast_in_dim3A_378 = vector.broadcast %and3A_377 : i32 to vector<16xi32>
      %broadcast_in_dim3A_379 = arith.constant 3 : i32
      %broadcast_in_dim3A_380 = vector.broadcast %broadcast_in_dim3A_379 : i32 to vector<16xi32>
      %add3A_381 = arith.constant 3 : i32
      %add3A_382 = arith.addi %multiple_of3A_168, %add3A_381 : i32
      %broadcast_in_dim3A_383 = vector.broadcast %add3A_382 : i32 to vector<16xi32>
      %add3A_384 = arith.constant 0 : i32
      %add3A_385 = vector.broadcast %add3A_384 : i32 to vector<16xi32>
      %add3A_386 = arith.addi %add3A_385, %iota3A : vector<16xi32>
      %gather3A_387 = tpu.vector_load_idx %arg7[%broadcast_in_dim3A_380, %add3A_386, %broadcast_in_dim3A_378] : memref<8x64x128xf32, #tpu.memory_space<vmem>>[vector<16xi32>, vector<16xi32>, vector<16xi32>], vector<16xf32>,
      tpu.vector_store_idx %arg8[%add3A_386, %broadcast_in_dim3A_383], %gather3A_387 {add = true} : memref<64x512xf32, #tpu.memory_space<vmem>>[vector<16xi32>, vector<16xi32>], vector<16xf32>,
      %add3A_388 = arith.constant 16 : i32
      %add3A_389 = vector.broadcast %add3A_388 : i32 to vector<16xi32>
      %add3A_390 = arith.addi %add3A_389, %iota3A : vector<16xi32>
      %gather3A_391 = tpu.vector_load_idx %arg7[%broadcast_in_dim3A_380, %add3A_390, %broadcast_in_dim3A_378] : memref<8x64x128xf32, #tpu.memory_space<vmem>>[vector<16xi32>, vector<16xi32>, vector<16xi32>], vector<16xf32>,
      tpu.vector_store_idx %arg8[%add3A_390, %broadcast_in_dim3A_383], %gather3A_391 {add = true} : memref<64x512xf32, #tpu.memory_space<vmem>>[vector<16xi32>, vector<16xi32>], vector<16xf32>,
      %add3A_392 = arith.constant 32 : i32
      %add3A_393 = vector.broadcast %add3A_392 : i32 to vector<16xi32>
      %add3A_394 = arith.addi %add3A_393, %iota3A : vector<16xi32>
      %gather3A_395 = tpu.vector_load_idx %arg7[%broadcast_in_dim3A_380, %add3A_394, %broadcast_in_dim3A_378] : memref<8x64x128xf32, #tpu.memory_space<vmem>>[vector<16xi32>, vector<16xi32>, vector<16xi32>], vector<16xf32>,
      tpu.vector_store_idx %arg8[%add3A_394, %broadcast_in_dim3A_383], %gather3A_395 {add = true} : memref<64x512xf32, #tpu.memory_space<vmem>>[vector<16xi32>, vector<16xi32>], vector<16xf32>,
      %add3A_396 = arith.constant 48 : i32
      %add3A_397 = vector.broadcast %add3A_396 : i32 to vector<16xi32>
      %add3A_398 = arith.addi %add3A_397, %iota3A : vector<16xi32>
      %gather3A_399 = tpu.vector_load_idx %arg7[%broadcast_in_dim3A_380, %add3A_398, %broadcast_in_dim3A_378] : memref<8x64x128xf32, #tpu.memory_space<vmem>>[vector<16xi32>, vector<16xi32>, vector<16xi32>], vector<16xf32>,
      tpu.vector_store_idx %arg8[%add3A_398, %broadcast_in_dim3A_383], %gather3A_399 {add = true} : memref<64x512xf32, #tpu.memory_space<vmem>>[vector<16xi32>, vector<16xi32>], vector<16xf32>,
      %slice3A_400 = vector.extract_strided_slice %get3A_170 {offsets = [11], sizes = [1], strides = [1]} : vector<16xi32> to vector<1xi32>
      %squeeze3A_401 = vector.extract %slice3A_400[0] : i32 from vector<1xi32>
      %shift_right_arithmetic3A_402 = arith.constant 7 : i32
      %shift_right_arithmetic3A_403 = arith.shrsi %squeeze3A_401, %shift_right_arithmetic3A_402 : i32
      %mul3A_404 = arith.constant 128 : i32
      %mul3A_405 = arith.muli %shift_right_arithmetic3A_403, %mul3A_404 : i32
      %multiple_of3A_406 = tpu.assume_multiple %mul3A_405, 128 : i32
      %dma_start3A_407 = arith.constant 3 : i32
      %dma_start3A_408 = arith.constant 0 : i32
      %dma_start3A_409 = arith.constant 0 : i32
      %dma_start3A_410 = tpu.memref_slice %arg7[%dma_start3A_407, %dma_start3A_408, %dma_start3A_409] : memref<8x64x128xf32, #tpu.memory_space<vmem>> -> memref<1x64x128xf32, #tpu.memory_space<vmem>>
      %dma_start3A_411 = tpu.memref_squeeze %dma_start3A_410 : memref<1x64x128xf32, #tpu.memory_space<vmem>> -> memref<64x128xf32, #tpu.memory_space<vmem>>
      %dma_start3A_412 = arith.constant 0 : i32
      %dma_start3A_413 = tpu.memref_slice %arg3[%dma_start3A_412, %multiple_of3A_406] : memref<64x1000000xf32, #tpu.memory_space<hbm>> -> memref<64x128xf32, #tpu.memory_space<hbm>>
      %dma_start3A_414 = arith.constant 0 : i32
      %dma_start3A_415 = arith.constant 0 : i32
      %dma_start3A_416 = tpu.memref_slice %arg7[%dma_start3A_407, %dma_start3A_414, %dma_start3A_415] : memref<8x64x128xf32, #tpu.memory_space<vmem>> -> memref<1x64x128xf32, #tpu.memory_space<vmem>>
      %dma_start3A_417 = tpu.memref_squeeze %dma_start3A_416 : memref<1x64x128xf32, #tpu.memory_space<vmem>> -> memref<64x128xf32, #tpu.memory_space<vmem>>
      %dma_start3A_418 = arith.constant 0 : i32
      %dma_start3A_419 = tpu.memref_slice %arg3[%dma_start3A_418, %multiple_of3A_406] : memref<64x1000000xf32, #tpu.memory_space<hbm>> -> memref<64x128xf32, #tpu.memory_space<hbm>>
      tpu.enqueue_dma source(%dma_start3A_419 : memref<64x128xf32, #tpu.memory_space<hbm>>) target(%dma_start3A_417 : memref<64x128xf32, #tpu.memory_space<vmem>>) target_semaphore(%arg12 : memref<!tpu.dma_semaphore, #tpu.memory_space<semaphore_mem>>)
      %dma_wait3A_420 = arith.constant 4 : i32
      %dma_wait3A_421 = arith.constant 0 : i32
      %dma_wait3A_422 = arith.constant 0 : i32
      %dma_wait3A_423 = tpu.memref_slice %arg7[%dma_wait3A_420, %dma_wait3A_421, %dma_wait3A_422] : memref<8x64x128xf32, #tpu.memory_space<vmem>> -> memref<1x64x128xf32, #tpu.memory_space<vmem>>
      %dma_wait3A_424 = tpu.memref_squeeze %dma_wait3A_423 : memref<1x64x128xf32, #tpu.memory_space<vmem>> -> memref<64x128xf32, #tpu.memory_space<vmem>>
      %dma_wait3A_425 = arith.constant 0 : i32
      %dma_wait3A_426 = arith.constant 0 : i32
      %dma_wait3A_427 = tpu.memref_slice %arg3[%dma_wait3A_425, %dma_wait3A_426] : memref<64x1000000xf32, #tpu.memory_space<hbm>> -> memref<64x128xf32, #tpu.memory_space<hbm>>
      %dma_wait3A_428 = arith.constant 0 : i32
      %dma_wait3A_429 = arith.constant 0 : i32
      %dma_wait3A_430 = tpu.memref_slice %arg7[%dma_wait3A_420, %dma_wait3A_428, %dma_wait3A_429] : memref<8x64x128xf32, #tpu.memory_space<vmem>> -> memref<1x64x128xf32, #tpu.memory_space<vmem>>
      %dma_wait3A_431 = tpu.memref_squeeze %dma_wait3A_430 : memref<1x64x128xf32, #tpu.memory_space<vmem>> -> memref<64x128xf32, #tpu.memory_space<vmem>>
      %dma_wait3A_432 = arith.constant 0 : i32
      %dma_wait3A_433 = arith.constant 0 : i32
      %dma_wait3A_434 = tpu.memref_slice %arg3[%dma_wait3A_432, %dma_wait3A_433] : memref<64x1000000xf32, #tpu.memory_space<hbm>> -> memref<64x128xf32, #tpu.memory_space<hbm>>
      tpu.wait_dma2 semaphore(%arg13 : memref<!tpu.dma_semaphore, #tpu.memory_space<semaphore_mem>>) src(%dma_wait3A_434 : memref<64x128xf32, #tpu.memory_space<hbm>>) dst(%dma_wait3A_431 : memref<64x128xf32, #tpu.memory_space<vmem>>)
      %slice3A_435 = vector.extract_strided_slice %get3A_170 {offsets = [4], sizes = [1], strides = [1]} : vector<16xi32> to vector<1xi32>
      %squeeze3A_436 = vector.extract %slice3A_435[0] : i32 from vector<1xi32>
      %and3A_437 = arith.constant 127 : i32
      %and3A_438 = arith.andi %squeeze3A_436, %and3A_437 : i32
      %broadcast_in_dim3A_439 = vector.broadcast %and3A_438 : i32 to vector<16xi32>
      %broadcast_in_dim3A_440 = arith.constant 4 : i32
      %broadcast_in_dim3A_441 = vector.broadcast %broadcast_in_dim3A_440 : i32 to vector<16xi32>
      %add3A_442 = arith.constant 4 : i32
      %add3A_443 = arith.addi %multiple_of3A_168, %add3A_442 : i32
      %broadcast_in_dim3A_444 = vector.broadcast %add3A_443 : i32 to vector<16xi32>
      %add3A_445 = arith.constant 0 : i32
      %add3A_446 = vector.broadcast %add3A_445 : i32 to vector<16xi32>
      %add3A_447 = arith.addi %add3A_446, %iota3A : vector<16xi32>
      %gather3A_448 = tpu.vector_load_idx %arg7[%broadcast_in_dim3A_441, %add3A_447, %broadcast_in_dim3A_439] : memref<8x64x128xf32, #tpu.memory_space<vmem>>[vector<16xi32>, vector<16xi32>, vector<16xi32>], vector<16xf32>,
      tpu.vector_store_idx %arg8[%add3A_447, %broadcast_in_dim3A_444], %gather3A_448 {add = true} : memref<64x512xf32, #tpu.memory_space<vmem>>[vector<16xi32>, vector<16xi32>], vector<16xf32>,
      %add3A_449 = arith.constant 16 : i32
      %add3A_450 = vector.broadcast %add3A_449 : i32 to vector<16xi32>
      %add3A_451 = arith.addi %add3A_450, %iota3A : vector<16xi32>
      %gather3A_452 = tpu.vector_load_idx %arg7[%broadcast_in_dim3A_441, %add3A_451, %broadcast_in_dim3A_439] : memref<8x64x128xf32, #tpu.memory_space<vmem>>[vector<16xi32>, vector<16xi32>, vector<16xi32>], vector<16xf32>,
      tpu.vector_store_idx %arg8[%add3A_451, %broadcast_in_dim3A_444], %gather3A_452 {add = true} : memref<64x512xf32, #tpu.memory_space<vmem>>[vector<16xi32>, vector<16xi32>], vector<16xf32>,
      %add3A_453 = arith.constant 32 : i32
      %add3A_454 = vector.broadcast %add3A_453 : i32 to vector<16xi32>
      %add3A_455 = arith.addi %add3A_454, %iota3A : vector<16xi32>
      %gather3A_456 = tpu.vector_load_idx %arg7[%broadcast_in_dim3A_441, %add3A_455, %broadcast_in_dim3A_439] : memref<8x64x128xf32, #tpu.memory_space<vmem>>[vector<16xi32>, vector<16xi32>, vector<16xi32>], vector<16xf32>,
      tpu.vector_store_idx %arg8[%add3A_455, %broadcast_in_dim3A_444], %gather3A_456 {add = true} : memref<64x512xf32, #tpu.memory_space<vmem>>[vector<16xi32>, vector<16xi32>], vector<16xf32>,
      %add3A_457 = arith.constant 48 : i32
      %add3A_458 = vector.broadcast %add3A_457 : i32 to vector<16xi32>
      %add3A_459 = arith.addi %add3A_458, %iota3A : vector<16xi32>
      %gather3A_460 = tpu.vector_load_idx %arg7[%broadcast_in_dim3A_441, %add3A_459, %broadcast_in_dim3A_439] : memref<8x64x128xf32, #tpu.memory_space<vmem>>[vector<16xi32>, vector<16xi32>, vector<16xi32>], vector<16xf32>,
      tpu.vector_store_idx %arg8[%add3A_459, %broadcast_in_dim3A_444], %gather3A_460 {add = true} : memref<64x512xf32, #tpu.memory_space<vmem>>[vector<16xi32>, vector<16xi32>], vector<16xf32>,
      %slice3A_461 = vector.extract_strided_slice %get3A_170 {offsets = [12], sizes = [1], strides = [1]} : vector<16xi32> to vector<1xi32>
      %squeeze3A_462 = vector.extract %slice3A_461[0] : i32 from vector<1xi32>
      %shift_right_arithmetic3A_463 = arith.constant 7 : i32
      %shift_right_arithmetic3A_464 = arith.shrsi %squeeze3A_462, %shift_right_arithmetic3A_463 : i32
      %mul3A_465 = arith.constant 128 : i32
      %mul3A_466 = arith.muli %shift_right_arithmetic3A_464, %mul3A_465 : i32
      %multiple_of3A_467 = tpu.assume_multiple %mul3A_466, 128 : i32
      %dma_start3A_468 = arith.constant 4 : i32
      %dma_start3A_469 = arith.constant 0 : i32
      %dma_start3A_470 = arith.constant 0 : i32
      %dma_start3A_471 = tpu.memref_slice %arg7[%dma_start3A_468, %dma_start3A_469, %dma_start3A_470] : memref<8x64x128xf32, #tpu.memory_space<vmem>> -> memref<1x64x128xf32, #tpu.memory_space<vmem>>
      %dma_start3A_472 = tpu.memref_squeeze %dma_start3A_471 : memref<1x64x128xf32, #tpu.memory_space<vmem>> -> memref<64x128xf32, #tpu.memory_space<vmem>>
      %dma_start3A_473 = arith.constant 0 : i32
      %dma_start3A_474 = tpu.memref_slice %arg3[%dma_start3A_473, %multiple_of3A_467] : memref<64x1000000xf32, #tpu.memory_space<hbm>> -> memref<64x128xf32, #tpu.memory_space<hbm>>
      %dma_start3A_475 = arith.constant 0 : i32
      %dma_start3A_476 = arith.constant 0 : i32
      %dma_start3A_477 = tpu.memref_slice %arg7[%dma_start3A_468, %dma_start3A_475, %dma_start3A_476] : memref<8x64x128xf32, #tpu.memory_space<vmem>> -> memref<1x64x128xf32, #tpu.memory_space<vmem>>
      %dma_start3A_478 = tpu.memref_squeeze %dma_start3A_477 : memref<1x64x128xf32, #tpu.memory_space<vmem>> -> memref<64x128xf32, #tpu.memory_space<vmem>>
      %dma_start3A_479 = arith.constant 0 : i32
      %dma_start3A_480 = tpu.memref_slice %arg3[%dma_start3A_479, %multiple_of3A_467] : memref<64x1000000xf32, #tpu.memory_space<hbm>> -> memref<64x128xf32, #tpu.memory_space<hbm>>
      tpu.enqueue_dma source(%dma_start3A_480 : memref<64x128xf32, #tpu.memory_space<hbm>>) target(%dma_start3A_478 : memref<64x128xf32, #tpu.memory_space<vmem>>) target_semaphore(%arg13 : memref<!tpu.dma_semaphore, #tpu.memory_space<semaphore_mem>>)
      %dma_wait3A_481 = arith.constant 5 : i32
      %dma_wait3A_482 = arith.constant 0 : i32
      %dma_wait3A_483 = arith.constant 0 : i32
      %dma_wait3A_484 = tpu.memref_slice %arg7[%dma_wait3A_481, %dma_wait3A_482, %dma_wait3A_483] : memref<8x64x128xf32, #tpu.memory_space<vmem>> -> memref<1x64x128xf32, #tpu.memory_space<vmem>>
      %dma_wait3A_485 = tpu.memref_squeeze %dma_wait3A_484 : memref<1x64x128xf32, #tpu.memory_space<vmem>> -> memref<64x128xf32, #tpu.memory_space<vmem>>
      %dma_wait3A_486 = arith.constant 0 : i32
      %dma_wait3A_487 = arith.constant 0 : i32
      %dma_wait3A_488 = tpu.memref_slice %arg3[%dma_wait3A_486, %dma_wait3A_487] : memref<64x1000000xf32, #tpu.memory_space<hbm>> -> memref<64x128xf32, #tpu.memory_space<hbm>>
      %dma_wait3A_489 = arith.constant 0 : i32
      %dma_wait3A_490 = arith.constant 0 : i32
      %dma_wait3A_491 = tpu.memref_slice %arg7[%dma_wait3A_481, %dma_wait3A_489, %dma_wait3A_490] : memref<8x64x128xf32, #tpu.memory_space<vmem>> -> memref<1x64x128xf32, #tpu.memory_space<vmem>>
      %dma_wait3A_492 = tpu.memref_squeeze %dma_wait3A_491 : memref<1x64x128xf32, #tpu.memory_space<vmem>> -> memref<64x128xf32, #tpu.memory_space<vmem>>
      %dma_wait3A_493 = arith.constant 0 : i32
      %dma_wait3A_494 = arith.constant 0 : i32
      %dma_wait3A_495 = tpu.memref_slice %arg3[%dma_wait3A_493, %dma_wait3A_494] : memref<64x1000000xf32, #tpu.memory_space<hbm>> -> memref<64x128xf32, #tpu.memory_space<hbm>>
      tpu.wait_dma2 semaphore(%arg14 : memref<!tpu.dma_semaphore, #tpu.memory_space<semaphore_mem>>) src(%dma_wait3A_495 : memref<64x128xf32, #tpu.memory_space<hbm>>) dst(%dma_wait3A_492 : memref<64x128xf32, #tpu.memory_space<vmem>>)
      %slice3A_496 = vector.extract_strided_slice %get3A_170 {offsets = [5], sizes = [1], strides = [1]} : vector<16xi32> to vector<1xi32>
      %squeeze3A_497 = vector.extract %slice3A_496[0] : i32 from vector<1xi32>
      %and3A_498 = arith.constant 127 : i32
      %and3A_499 = arith.andi %squeeze3A_497, %and3A_498 : i32
      %broadcast_in_dim3A_500 = vector.broadcast %and3A_499 : i32 to vector<16xi32>
      %broadcast_in_dim3A_501 = arith.constant 5 : i32
      %broadcast_in_dim3A_502 = vector.broadcast %broadcast_in_dim3A_501 : i32 to vector<16xi32>
      %add3A_503 = arith.constant 5 : i32
      %add3A_504 = arith.addi %multiple_of3A_168, %add3A_503 : i32
      %broadcast_in_dim3A_505 = vector.broadcast %add3A_504 : i32 to vector<16xi32>
      %add3A_506 = arith.constant 0 : i32
      %add3A_507 = vector.broadcast %add3A_506 : i32 to vector<16xi32>
      %add3A_508 = arith.addi %add3A_507, %iota3A : vector<16xi32>
      %gather3A_509 = tpu.vector_load_idx %arg7[%broadcast_in_dim3A_502, %add3A_508, %broadcast_in_dim3A_500] : memref<8x64x128xf32, #tpu.memory_space<vmem>>[vector<16xi32>, vector<16xi32>, vector<16xi32>], vector<16xf32>,
      tpu.vector_store_idx %arg8[%add3A_508, %broadcast_in_dim3A_505], %gather3A_509 {add = true} : memref<64x512xf32, #tpu.memory_space<vmem>>[vector<16xi32>, vector<16xi32>], vector<16xf32>,
      %add3A_510 = arith.constant 16 : i32
      %add3A_511 = vector.broadcast %add3A_510 : i32 to vector<16xi32>
      %add3A_512 = arith.addi %add3A_511, %iota3A : vector<16xi32>
      %gather3A_513 = tpu.vector_load_idx %arg7[%broadcast_in_dim3A_502, %add3A_512, %broadcast_in_dim3A_500] : memref<8x64x128xf32, #tpu.memory_space<vmem>>[vector<16xi32>, vector<16xi32>, vector<16xi32>], vector<16xf32>,
      tpu.vector_store_idx %arg8[%add3A_512, %broadcast_in_dim3A_505], %gather3A_513 {add = true} : memref<64x512xf32, #tpu.memory_space<vmem>>[vector<16xi32>, vector<16xi32>], vector<16xf32>,
      %add3A_514 = arith.constant 32 : i32
      %add3A_515 = vector.broadcast %add3A_514 : i32 to vector<16xi32>
      %add3A_516 = arith.addi %add3A_515, %iota3A : vector<16xi32>
      %gather3A_517 = tpu.vector_load_idx %arg7[%broadcast_in_dim3A_502, %add3A_516, %broadcast_in_dim3A_500] : memref<8x64x128xf32, #tpu.memory_space<vmem>>[vector<16xi32>, vector<16xi32>, vector<16xi32>], vector<16xf32>,
      tpu.vector_store_idx %arg8[%add3A_516, %broadcast_in_dim3A_505], %gather3A_517 {add = true} : memref<64x512xf32, #tpu.memory_space<vmem>>[vector<16xi32>, vector<16xi32>], vector<16xf32>,
      %add3A_518 = arith.constant 48 : i32
      %add3A_519 = vector.broadcast %add3A_518 : i32 to vector<16xi32>
      %add3A_520 = arith.addi %add3A_519, %iota3A : vector<16xi32>
      %gather3A_521 = tpu.vector_load_idx %arg7[%broadcast_in_dim3A_502, %add3A_520, %broadcast_in_dim3A_500] : memref<8x64x128xf32, #tpu.memory_space<vmem>>[vector<16xi32>, vector<16xi32>, vector<16xi32>], vector<16xf32>,
      tpu.vector_store_idx %arg8[%add3A_520, %broadcast_in_dim3A_505], %gather3A_521 {add = true} : memref<64x512xf32, #tpu.memory_space<vmem>>[vector<16xi32>, vector<16xi32>], vector<16xf32>,
      %slice3A_522 = vector.extract_strided_slice %get3A_170 {offsets = [13], sizes = [1], strides = [1]} : vector<16xi32> to vector<1xi32>
      %squeeze3A_523 = vector.extract %slice3A_522[0] : i32 from vector<1xi32>
      %shift_right_arithmetic3A_524 = arith.constant 7 : i32
      %shift_right_arithmetic3A_525 = arith.shrsi %squeeze3A_523, %shift_right_arithmetic3A_524 : i32
      %mul3A_526 = arith.constant 128 : i32
      %mul3A_527 = arith.muli %shift_right_arithmetic3A_525, %mul3A_526 : i32
      %multiple_of3A_528 = tpu.assume_multiple %mul3A_527, 128 : i32
      %dma_start3A_529 = arith.constant 5 : i32
      %dma_start3A_530 = arith.constant 0 : i32
      %dma_start3A_531 = arith.constant 0 : i32
      %dma_start3A_532 = tpu.memref_slice %arg7[%dma_start3A_529, %dma_start3A_530, %dma_start3A_531] : memref<8x64x128xf32, #tpu.memory_space<vmem>> -> memref<1x64x128xf32, #tpu.memory_space<vmem>>
      %dma_start3A_533 = tpu.memref_squeeze %dma_start3A_532 : memref<1x64x128xf32, #tpu.memory_space<vmem>> -> memref<64x128xf32, #tpu.memory_space<vmem>>
      %dma_start3A_534 = arith.constant 0 : i32
      %dma_start3A_535 = tpu.memref_slice %arg3[%dma_start3A_534, %multiple_of3A_528] : memref<64x1000000xf32, #tpu.memory_space<hbm>> -> memref<64x128xf32, #tpu.memory_space<hbm>>
      %dma_start3A_536 = arith.constant 0 : i32
      %dma_start3A_537 = arith.constant 0 : i32
      %dma_start3A_538 = tpu.memref_slice %arg7[%dma_start3A_529, %dma_start3A_536, %dma_start3A_537] : memref<8x64x128xf32, #tpu.memory_space<vmem>> -> memref<1x64x128xf32, #tpu.memory_space<vmem>>
      %dma_start3A_539 = tpu.memref_squeeze %dma_start3A_538 : memref<1x64x128xf32, #tpu.memory_space<vmem>> -> memref<64x128xf32, #tpu.memory_space<vmem>>
      %dma_start3A_540 = arith.constant 0 : i32
      %dma_start3A_541 = tpu.memref_slice %arg3[%dma_start3A_540, %multiple_of3A_528] : memref<64x1000000xf32, #tpu.memory_space<hbm>> -> memref<64x128xf32, #tpu.memory_space<hbm>>
      tpu.enqueue_dma source(%dma_start3A_541 : memref<64x128xf32, #tpu.memory_space<hbm>>) target(%dma_start3A_539 : memref<64x128xf32, #tpu.memory_space<vmem>>) target_semaphore(%arg14 : memref<!tpu.dma_semaphore, #tpu.memory_space<semaphore_mem>>)
      %dma_wait3A_542 = arith.constant 6 : i32
      %dma_wait3A_543 = arith.constant 0 : i32
      %dma_wait3A_544 = arith.constant 0 : i32
      %dma_wait3A_545 = tpu.memref_slice %arg7[%dma_wait3A_542, %dma_wait3A_543, %dma_wait3A_544] : memref<8x64x128xf32, #tpu.memory_space<vmem>> -> memref<1x64x128xf32, #tpu.memory_space<vmem>>
      %dma_wait3A_546 = tpu.memref_squeeze %dma_wait3A_545 : memref<1x64x128xf32, #tpu.memory_space<vmem>> -> memref<64x128xf32, #tpu.memory_space<vmem>>
      %dma_wait3A_547 = arith.constant 0 : i32
      %dma_wait3A_548 = arith.constant 0 : i32
      %dma_wait3A_549 = tpu.memref_slice %arg3[%dma_wait3A_547, %dma_wait3A_548] : memref<64x1000000xf32, #tpu.memory_space<hbm>> -> memref<64x128xf32, #tpu.memory_space<hbm>>
      %dma_wait3A_550 = arith.constant 0 : i32
      %dma_wait3A_551 = arith.constant 0 : i32
      %dma_wait3A_552 = tpu.memref_slice %arg7[%dma_wait3A_542, %dma_wait3A_550, %dma_wait3A_551] : memref<8x64x128xf32, #tpu.memory_space<vmem>> -> memref<1x64x128xf32, #tpu.memory_space<vmem>>
      %dma_wait3A_553 = tpu.memref_squeeze %dma_wait3A_552 : memref<1x64x128xf32, #tpu.memory_space<vmem>> -> memref<64x128xf32, #tpu.memory_space<vmem>>
      %dma_wait3A_554 = arith.constant 0 : i32
      %dma_wait3A_555 = arith.constant 0 : i32
      %dma_wait3A_556 = tpu.memref_slice %arg3[%dma_wait3A_554, %dma_wait3A_555] : memref<64x1000000xf32, #tpu.memory_space<hbm>> -> memref<64x128xf32, #tpu.memory_space<hbm>>
      tpu.wait_dma2 semaphore(%arg15 : memref<!tpu.dma_semaphore, #tpu.memory_space<semaphore_mem>>) src(%dma_wait3A_556 : memref<64x128xf32, #tpu.memory_space<hbm>>) dst(%dma_wait3A_553 : memref<64x128xf32, #tpu.memory_space<vmem>>)
      %slice3A_557 = vector.extract_strided_slice %get3A_170 {offsets = [6], sizes = [1], strides = [1]} : vector<16xi32> to vector<1xi32>
      %squeeze3A_558 = vector.extract %slice3A_557[0] : i32 from vector<1xi32>
      %and3A_559 = arith.constant 127 : i32
      %and3A_560 = arith.andi %squeeze3A_558, %and3A_559 : i32
      %broadcast_in_dim3A_561 = vector.broadcast %and3A_560 : i32 to vector<16xi32>
      %broadcast_in_dim3A_562 = arith.constant 6 : i32
      %broadcast_in_dim3A_563 = vector.broadcast %broadcast_in_dim3A_562 : i32 to vector<16xi32>
      %add3A_564 = arith.constant 6 : i32
      %add3A_565 = arith.addi %multiple_of3A_168, %add3A_564 : i32
      %broadcast_in_dim3A_566 = vector.broadcast %add3A_565 : i32 to vector<16xi32>
      %add3A_567 = arith.constant 0 : i32
      %add3A_568 = vector.broadcast %add3A_567 : i32 to vector<16xi32>
      %add3A_569 = arith.addi %add3A_568, %iota3A : vector<16xi32>
      %gather3A_570 = tpu.vector_load_idx %arg7[%broadcast_in_dim3A_563, %add3A_569, %broadcast_in_dim3A_561] : memref<8x64x128xf32, #tpu.memory_space<vmem>>[vector<16xi32>, vector<16xi32>, vector<16xi32>], vector<16xf32>,
      tpu.vector_store_idx %arg8[%add3A_569, %broadcast_in_dim3A_566], %gather3A_570 {add = true} : memref<64x512xf32, #tpu.memory_space<vmem>>[vector<16xi32>, vector<16xi32>], vector<16xf32>,
      %add3A_571 = arith.constant 16 : i32
      %add3A_572 = vector.broadcast %add3A_571 : i32 to vector<16xi32>
      %add3A_573 = arith.addi %add3A_572, %iota3A : vector<16xi32>
      %gather3A_574 = tpu.vector_load_idx %arg7[%broadcast_in_dim3A_563, %add3A_573, %broadcast_in_dim3A_561] : memref<8x64x128xf32, #tpu.memory_space<vmem>>[vector<16xi32>, vector<16xi32>, vector<16xi32>], vector<16xf32>,
      tpu.vector_store_idx %arg8[%add3A_573, %broadcast_in_dim3A_566], %gather3A_574 {add = true} : memref<64x512xf32, #tpu.memory_space<vmem>>[vector<16xi32>, vector<16xi32>], vector<16xf32>,
      %add3A_575 = arith.constant 32 : i32
      %add3A_576 = vector.broadcast %add3A_575 : i32 to vector<16xi32>
      %add3A_577 = arith.addi %add3A_576, %iota3A : vector<16xi32>
      %gather3A_578 = tpu.vector_load_idx %arg7[%broadcast_in_dim3A_563, %add3A_577, %broadcast_in_dim3A_561] : memref<8x64x128xf32, #tpu.memory_space<vmem>>[vector<16xi32>, vector<16xi32>, vector<16xi32>], vector<16xf32>,
      tpu.vector_store_idx %arg8[%add3A_577, %broadcast_in_dim3A_566], %gather3A_578 {add = true} : memref<64x512xf32, #tpu.memory_space<vmem>>[vector<16xi32>, vector<16xi32>], vector<16xf32>,
      %add3A_579 = arith.constant 48 : i32
      %add3A_580 = vector.broadcast %add3A_579 : i32 to vector<16xi32>
      %add3A_581 = arith.addi %add3A_580, %iota3A : vector<16xi32>
      %gather3A_582 = tpu.vector_load_idx %arg7[%broadcast_in_dim3A_563, %add3A_581, %broadcast_in_dim3A_561] : memref<8x64x128xf32, #tpu.memory_space<vmem>>[vector<16xi32>, vector<16xi32>, vector<16xi32>], vector<16xf32>,
      tpu.vector_store_idx %arg8[%add3A_581, %broadcast_in_dim3A_566], %gather3A_582 {add = true} : memref<64x512xf32, #tpu.memory_space<vmem>>[vector<16xi32>, vector<16xi32>], vector<16xf32>,
      %slice3A_583 = vector.extract_strided_slice %get3A_170 {offsets = [14], sizes = [1], strides = [1]} : vector<16xi32> to vector<1xi32>
      %squeeze3A_584 = vector.extract %slice3A_583[0] : i32 from vector<1xi32>
      %shift_right_arithmetic3A_585 = arith.constant 7 : i32
      %shift_right_arithmetic3A_586 = arith.shrsi %squeeze3A_584, %shift_right_arithmetic3A_585 : i32
      %mul3A_587 = arith.constant 128 : i32
      %mul3A_588 = arith.muli %shift_right_arithmetic3A_586, %mul3A_587 : i32
      %multiple_of3A_589 = tpu.assume_multiple %mul3A_588, 128 : i32
      %dma_start3A_590 = arith.constant 6 : i32
      %dma_start3A_591 = arith.constant 0 : i32
      %dma_start3A_592 = arith.constant 0 : i32
      %dma_start3A_593 = tpu.memref_slice %arg7[%dma_start3A_590, %dma_start3A_591, %dma_start3A_592] : memref<8x64x128xf32, #tpu.memory_space<vmem>> -> memref<1x64x128xf32, #tpu.memory_space<vmem>>
      %dma_start3A_594 = tpu.memref_squeeze %dma_start3A_593 : memref<1x64x128xf32, #tpu.memory_space<vmem>> -> memref<64x128xf32, #tpu.memory_space<vmem>>
      %dma_start3A_595 = arith.constant 0 : i32
      %dma_start3A_596 = tpu.memref_slice %arg3[%dma_start3A_595, %multiple_of3A_589] : memref<64x1000000xf32, #tpu.memory_space<hbm>> -> memref<64x128xf32, #tpu.memory_space<hbm>>
      %dma_start3A_597 = arith.constant 0 : i32
      %dma_start3A_598 = arith.constant 0 : i32
      %dma_start3A_599 = tpu.memref_slice %arg7[%dma_start3A_590, %dma_start3A_597, %dma_start3A_598] : memref<8x64x128xf32, #tpu.memory_space<vmem>> -> memref<1x64x128xf32, #tpu.memory_space<vmem>>
      %dma_start3A_600 = tpu.memref_squeeze %dma_start3A_599 : memref<1x64x128xf32, #tpu.memory_space<vmem>> -> memref<64x128xf32, #tpu.memory_space<vmem>>
      %dma_start3A_601 = arith.constant 0 : i32
      %dma_start3A_602 = tpu.memref_slice %arg3[%dma_start3A_601, %multiple_of3A_589] : memref<64x1000000xf32, #tpu.memory_space<hbm>> -> memref<64x128xf32, #tpu.memory_space<hbm>>
      tpu.enqueue_dma source(%dma_start3A_602 : memref<64x128xf32, #tpu.memory_space<hbm>>) target(%dma_start3A_600 : memref<64x128xf32, #tpu.memory_space<vmem>>) target_semaphore(%arg15 : memref<!tpu.dma_semaphore, #tpu.memory_space<semaphore_mem>>)
      %dma_wait3A_603 = arith.constant 7 : i32
      %dma_wait3A_604 = arith.constant 0 : i32
      %dma_wait3A_605 = arith.constant 0 : i32
      %dma_wait3A_606 = tpu.memref_slice %arg7[%dma_wait3A_603, %dma_wait3A_604, %dma_wait3A_605] : memref<8x64x128xf32, #tpu.memory_space<vmem>> -> memref<1x64x128xf32, #tpu.memory_space<vmem>>
      %dma_wait3A_607 = tpu.memref_squeeze %dma_wait3A_606 : memref<1x64x128xf32, #tpu.memory_space<vmem>> -> memref<64x128xf32, #tpu.memory_space<vmem>>
      %dma_wait3A_608 = arith.constant 0 : i32
      %dma_wait3A_609 = arith.constant 0 : i32
      %dma_wait3A_610 = tpu.memref_slice %arg3[%dma_wait3A_608, %dma_wait3A_609] : memref<64x1000000xf32, #tpu.memory_space<hbm>> -> memref<64x128xf32, #tpu.memory_space<hbm>>
      %dma_wait3A_611 = arith.constant 0 : i32
      %dma_wait3A_612 = arith.constant 0 : i32
      %dma_wait3A_613 = tpu.memref_slice %arg7[%dma_wait3A_603, %dma_wait3A_611, %dma_wait3A_612] : memref<8x64x128xf32, #tpu.memory_space<vmem>> -> memref<1x64x128xf32, #tpu.memory_space<vmem>>
      %dma_wait3A_614 = tpu.memref_squeeze %dma_wait3A_613 : memref<1x64x128xf32, #tpu.memory_space<vmem>> -> memref<64x128xf32, #tpu.memory_space<vmem>>
      %dma_wait3A_615 = arith.constant 0 : i32
      %dma_wait3A_616 = arith.constant 0 : i32
      %dma_wait3A_617 = tpu.memref_slice %arg3[%dma_wait3A_615, %dma_wait3A_616] : memref<64x1000000xf32, #tpu.memory_space<hbm>> -> memref<64x128xf32, #tpu.memory_space<hbm>>
      tpu.wait_dma2 semaphore(%arg16 : memref<!tpu.dma_semaphore, #tpu.memory_space<semaphore_mem>>) src(%dma_wait3A_617 : memref<64x128xf32, #tpu.memory_space<hbm>>) dst(%dma_wait3A_614 : memref<64x128xf32, #tpu.memory_space<vmem>>)
      %slice3A_618 = vector.extract_strided_slice %get3A_170 {offsets = [7], sizes = [1], strides = [1]} : vector<16xi32> to vector<1xi32>
      %squeeze3A_619 = vector.extract %slice3A_618[0] : i32 from vector<1xi32>
      %and3A_620 = arith.constant 127 : i32
      %and3A_621 = arith.andi %squeeze3A_619, %and3A_620 : i32
      %broadcast_in_dim3A_622 = vector.broadcast %and3A_621 : i32 to vector<16xi32>
      %broadcast_in_dim3A_623 = arith.constant 7 : i32
      %broadcast_in_dim3A_624 = vector.broadcast %broadcast_in_dim3A_623 : i32 to vector<16xi32>
      %add3A_625 = arith.constant 7 : i32
      %add3A_626 = arith.addi %multiple_of3A_168, %add3A_625 : i32
      %broadcast_in_dim3A_627 = vector.broadcast %add3A_626 : i32 to vector<16xi32>
      %add3A_628 = arith.constant 0 : i32
      %add3A_629 = vector.broadcast %add3A_628 : i32 to vector<16xi32>
      %add3A_630 = arith.addi %add3A_629, %iota3A : vector<16xi32>
      %gather3A_631 = tpu.vector_load_idx %arg7[%broadcast_in_dim3A_624, %add3A_630, %broadcast_in_dim3A_622] : memref<8x64x128xf32, #tpu.memory_space<vmem>>[vector<16xi32>, vector<16xi32>, vector<16xi32>], vector<16xf32>,
      tpu.vector_store_idx %arg8[%add3A_630, %broadcast_in_dim3A_627], %gather3A_631 {add = true} : memref<64x512xf32, #tpu.memory_space<vmem>>[vector<16xi32>, vector<16xi32>], vector<16xf32>,
      %add3A_632 = arith.constant 16 : i32
      %add3A_633 = vector.broadcast %add3A_632 : i32 to vector<16xi32>
      %add3A_634 = arith.addi %add3A_633, %iota3A : vector<16xi32>
      %gather3A_635 = tpu.vector_load_idx %arg7[%broadcast_in_dim3A_624, %add3A_634, %broadcast_in_dim3A_622] : memref<8x64x128xf32, #tpu.memory_space<vmem>>[vector<16xi32>, vector<16xi32>, vector<16xi32>], vector<16xf32>,
      tpu.vector_store_idx %arg8[%add3A_634, %broadcast_in_dim3A_627], %gather3A_635 {add = true} : memref<64x512xf32, #tpu.memory_space<vmem>>[vector<16xi32>, vector<16xi32>], vector<16xf32>,
      %add3A_636 = arith.constant 32 : i32
      %add3A_637 = vector.broadcast %add3A_636 : i32 to vector<16xi32>
      %add3A_638 = arith.addi %add3A_637, %iota3A : vector<16xi32>
      %gather3A_639 = tpu.vector_load_idx %arg7[%broadcast_in_dim3A_624, %add3A_638, %broadcast_in_dim3A_622] : memref<8x64x128xf32, #tpu.memory_space<vmem>>[vector<16xi32>, vector<16xi32>, vector<16xi32>], vector<16xf32>,
      tpu.vector_store_idx %arg8[%add3A_638, %broadcast_in_dim3A_627], %gather3A_639 {add = true} : memref<64x512xf32, #tpu.memory_space<vmem>>[vector<16xi32>, vector<16xi32>], vector<16xf32>,
      %add3A_640 = arith.constant 48 : i32
      %add3A_641 = vector.broadcast %add3A_640 : i32 to vector<16xi32>
      %add3A_642 = arith.addi %add3A_641, %iota3A : vector<16xi32>
      %gather3A_643 = tpu.vector_load_idx %arg7[%broadcast_in_dim3A_624, %add3A_642, %broadcast_in_dim3A_622] : memref<8x64x128xf32, #tpu.memory_space<vmem>>[vector<16xi32>, vector<16xi32>, vector<16xi32>], vector<16xf32>,
      tpu.vector_store_idx %arg8[%add3A_642, %broadcast_in_dim3A_627], %gather3A_643 {add = true} : memref<64x512xf32, #tpu.memory_space<vmem>>[vector<16xi32>, vector<16xi32>], vector<16xf32>,
      %slice3A_644 = vector.extract_strided_slice %get3A_170 {offsets = [15], sizes = [1], strides = [1]} : vector<16xi32> to vector<1xi32>
      %squeeze3A_645 = vector.extract %slice3A_644[0] : i32 from vector<1xi32>
      %shift_right_arithmetic3A_646 = arith.constant 7 : i32
      %shift_right_arithmetic3A_647 = arith.shrsi %squeeze3A_645, %shift_right_arithmetic3A_646 : i32
      %mul3A_648 = arith.constant 128 : i32
      %mul3A_649 = arith.muli %shift_right_arithmetic3A_647, %mul3A_648 : i32
      %multiple_of3A_650 = tpu.assume_multiple %mul3A_649, 128 : i32
      %dma_start3A_651 = arith.constant 7 : i32
      %dma_start3A_652 = arith.constant 0 : i32
      %dma_start3A_653 = arith.constant 0 : i32
      %dma_start3A_654 = tpu.memref_slice %arg7[%dma_start3A_651, %dma_start3A_652, %dma_start3A_653] : memref<8x64x128xf32, #tpu.memory_space<vmem>> -> memref<1x64x128xf32, #tpu.memory_space<vmem>>
      %dma_start3A_655 = tpu.memref_squeeze %dma_start3A_654 : memref<1x64x128xf32, #tpu.memory_space<vmem>> -> memref<64x128xf32, #tpu.memory_space<vmem>>
      %dma_start3A_656 = arith.constant 0 : i32
      %dma_start3A_657 = tpu.memref_slice %arg3[%dma_start3A_656, %multiple_of3A_650] : memref<64x1000000xf32, #tpu.memory_space<hbm>> -> memref<64x128xf32, #tpu.memory_space<hbm>>
      %dma_start3A_658 = arith.constant 0 : i32
      %dma_start3A_659 = arith.constant 0 : i32
      %dma_start3A_660 = tpu.memref_slice %arg7[%dma_start3A_651, %dma_start3A_658, %dma_start3A_659] : memref<8x64x128xf32, #tpu.memory_space<vmem>> -> memref<1x64x128xf32, #tpu.memory_space<vmem>>
      %dma_start3A_661 = tpu.memref_squeeze %dma_start3A_660 : memref<1x64x128xf32, #tpu.memory_space<vmem>> -> memref<64x128xf32, #tpu.memory_space<vmem>>
      %dma_start3A_662 = arith.constant 0 : i32
      %dma_start3A_663 = tpu.memref_slice %arg3[%dma_start3A_662, %multiple_of3A_650] : memref<64x1000000xf32, #tpu.memory_space<hbm>> -> memref<64x128xf32, #tpu.memory_space<hbm>>
      tpu.enqueue_dma source(%dma_start3A_663 : memref<64x128xf32, #tpu.memory_space<hbm>>) target(%dma_start3A_661 : memref<64x128xf32, #tpu.memory_space<vmem>>) target_semaphore(%arg16 : memref<!tpu.dma_semaphore, #tpu.memory_space<semaphore_mem>>)
      %dma_wait3A_664 = arith.constant 0 : i32
      %dma_wait3A_665 = arith.constant 0 : i32
      %dma_wait3A_666 = arith.constant 0 : i32
      %dma_wait3A_667 = tpu.memref_slice %arg7[%dma_wait3A_664, %dma_wait3A_665, %dma_wait3A_666] : memref<8x64x128xf32, #tpu.memory_space<vmem>> -> memref<1x64x128xf32, #tpu.memory_space<vmem>>
      %dma_wait3A_668 = tpu.memref_squeeze %dma_wait3A_667 : memref<1x64x128xf32, #tpu.memory_space<vmem>> -> memref<64x128xf32, #tpu.memory_space<vmem>>
      %dma_wait3A_669 = arith.constant 0 : i32
      %dma_wait3A_670 = arith.constant 0 : i32
      %dma_wait3A_671 = tpu.memref_slice %arg3[%dma_wait3A_669, %dma_wait3A_670] : memref<64x1000000xf32, #tpu.memory_space<hbm>> -> memref<64x128xf32, #tpu.memory_space<hbm>>
      %dma_wait3A_672 = arith.constant 0 : i32
      %dma_wait3A_673 = arith.constant 0 : i32
      %dma_wait3A_674 = tpu.memref_slice %arg7[%dma_wait3A_664, %dma_wait3A_672, %dma_wait3A_673] : memref<8x64x128xf32, #tpu.memory_space<vmem>> -> memref<1x64x128xf32, #tpu.memory_space<vmem>>
      %dma_wait3A_675 = tpu.memref_squeeze %dma_wait3A_674 : memref<1x64x128xf32, #tpu.memory_space<vmem>> -> memref<64x128xf32, #tpu.memory_space<vmem>>
      %dma_wait3A_676 = arith.constant 0 : i32
      %dma_wait3A_677 = arith.constant 0 : i32
      %dma_wait3A_678 = tpu.memref_slice %arg3[%dma_wait3A_676, %dma_wait3A_677] : memref<64x1000000xf32, #tpu.memory_space<hbm>> -> memref<64x128xf32, #tpu.memory_space<hbm>>
      tpu.wait_dma2 semaphore(%arg9 : memref<!tpu.dma_semaphore, #tpu.memory_space<semaphore_mem>>) src(%dma_wait3A_678 : memref<64x128xf32, #tpu.memory_space<hbm>>) dst(%dma_wait3A_675 : memref<64x128xf32, #tpu.memory_space<vmem>>)
      %slice3A_679 = vector.extract_strided_slice %get3A_170 {offsets = [8], sizes = [1], strides = [1]} : vector<16xi32> to vector<1xi32>
      %squeeze3A_680 = vector.extract %slice3A_679[0] : i32 from vector<1xi32>
      %and3A_681 = arith.constant 127 : i32
      %and3A_682 = arith.andi %squeeze3A_680, %and3A_681 : i32
      %broadcast_in_dim3A_683 = vector.broadcast %and3A_682 : i32 to vector<16xi32>
      %broadcast_in_dim3A_684 = arith.constant 0 : i32
      %broadcast_in_dim3A_685 = vector.broadcast %broadcast_in_dim3A_684 : i32 to vector<16xi32>
      %add3A_686 = arith.constant 8 : i32
      %add3A_687 = arith.addi %multiple_of3A_168, %add3A_686 : i32
      %broadcast_in_dim3A_688 = vector.broadcast %add3A_687 : i32 to vector<16xi32>
      %add3A_689 = arith.constant 0 : i32
      %add3A_690 = vector.broadcast %add3A_689 : i32 to vector<16xi32>
      %add3A_691 = arith.addi %add3A_690, %iota3A : vector<16xi32>
      %gather3A_692 = tpu.vector_load_idx %arg7[%broadcast_in_dim3A_685, %add3A_691, %broadcast_in_dim3A_683] : memref<8x64x128xf32, #tpu.memory_space<vmem>>[vector<16xi32>, vector<16xi32>, vector<16xi32>], vector<16xf32>,
      tpu.vector_store_idx %arg8[%add3A_691, %broadcast_in_dim3A_688], %gather3A_692 {add = true} : memref<64x512xf32, #tpu.memory_space<vmem>>[vector<16xi32>, vector<16xi32>], vector<16xf32>,
      %add3A_693 = arith.constant 16 : i32
      %add3A_694 = vector.broadcast %add3A_693 : i32 to vector<16xi32>
      %add3A_695 = arith.addi %add3A_694, %iota3A : vector<16xi32>
      %gather3A_696 = tpu.vector_load_idx %arg7[%broadcast_in_dim3A_685, %add3A_695, %broadcast_in_dim3A_683] : memref<8x64x128xf32, #tpu.memory_space<vmem>>[vector<16xi32>, vector<16xi32>, vector<16xi32>], vector<16xf32>,
      tpu.vector_store_idx %arg8[%add3A_695, %broadcast_in_dim3A_688], %gather3A_696 {add = true} : memref<64x512xf32, #tpu.memory_space<vmem>>[vector<16xi32>, vector<16xi32>], vector<16xf32>,
      %add3A_697 = arith.constant 32 : i32
      %add3A_698 = vector.broadcast %add3A_697 : i32 to vector<16xi32>
      %add3A_699 = arith.addi %add3A_698, %iota3A : vector<16xi32>
      %gather3A_700 = tpu.vector_load_idx %arg7[%broadcast_in_dim3A_685, %add3A_699, %broadcast_in_dim3A_683] : memref<8x64x128xf32, #tpu.memory_space<vmem>>[vector<16xi32>, vector<16xi32>, vector<16xi32>], vector<16xf32>,
      tpu.vector_store_idx %arg8[%add3A_699, %broadcast_in_dim3A_688], %gather3A_700 {add = true} : memref<64x512xf32, #tpu.memory_space<vmem>>[vector<16xi32>, vector<16xi32>], vector<16xf32>,
      %add3A_701 = arith.constant 48 : i32
      %add3A_702 = vector.broadcast %add3A_701 : i32 to vector<16xi32>
      %add3A_703 = arith.addi %add3A_702, %iota3A : vector<16xi32>
      %gather3A_704 = tpu.vector_load_idx %arg7[%broadcast_in_dim3A_685, %add3A_703, %broadcast_in_dim3A_683] : memref<8x64x128xf32, #tpu.memory_space<vmem>>[vector<16xi32>, vector<16xi32>, vector<16xi32>], vector<16xf32>,
      tpu.vector_store_idx %arg8[%add3A_703, %broadcast_in_dim3A_688], %gather3A_704 {add = true} : memref<64x512xf32, #tpu.memory_space<vmem>>[vector<16xi32>, vector<16xi32>], vector<16xf32>,
      %not3A = arith.constant true
      %not3A_705 = arith.xori %eq3A_179, %not3A : i1
      %convert_element_type3A = arith.extui %not3A_705 : i1 to i32
      %cond3A = arith.constant 0 : i32
      %cond3A_706 = arith.cmpi ne, %convert_element_type3A, %cond3A : i32
      scf.if %cond3A_706 {
        %slice3A_1029 = vector.extract_strided_slice %get3A_178 {offsets = [0], sizes = [1], strides = [1]} : vector<16xi32> to vector<1xi32>
        %squeeze3A_1030 = vector.extract %slice3A_1029[0] : i32 from vector<1xi32>
        %shift_right_arithmetic3A_1031 = arith.constant 7 : i32
        %shift_right_arithmetic3A_1032 = arith.shrsi %squeeze3A_1030, %shift_right_arithmetic3A_1031 : i32
        %mul3A_1033 = arith.constant 128 : i32
        %mul3A_1034 = arith.muli %shift_right_arithmetic3A_1032, %mul3A_1033 : i32
        %multiple_of3A_1035 = tpu.assume_multiple %mul3A_1034, 128 : i32
        %dma_start3A_1036 = arith.constant 0 : i32
        %dma_start3A_1037 = arith.constant 0 : i32
        %dma_start3A_1038 = arith.constant 0 : i32
        %dma_start3A_1039 = tpu.memref_slice %arg7[%dma_start3A_1036, %dma_start3A_1037, %dma_start3A_1038] : memref<8x64x128xf32, #tpu.memory_space<vmem>> -> memref<1x64x128xf32, #tpu.memory_space<vmem>>
        %dma_start3A_1040 = tpu.memref_squeeze %dma_start3A_1039 : memref<1x64x128xf32, #tpu.memory_space<vmem>> -> memref<64x128xf32, #tpu.memory_space<vmem>>
        %dma_start3A_1041 = arith.constant 0 : i32
        %dma_start3A_1042 = tpu.memref_slice %arg3[%dma_start3A_1041, %multiple_of3A_1035] : memref<64x1000000xf32, #tpu.memory_space<hbm>> -> memref<64x128xf32, #tpu.memory_space<hbm>>
        %dma_start3A_1043 = arith.constant 0 : i32
        %dma_start3A_1044 = arith.constant 0 : i32
        %dma_start3A_1045 = tpu.memref_slice %arg7[%dma_start3A_1036, %dma_start3A_1043, %dma_start3A_1044] : memref<8x64x128xf32, #tpu.memory_space<vmem>> -> memref<1x64x128xf32, #tpu.memory_space<vmem>>
        %dma_start3A_1046 = tpu.memref_squeeze %dma_start3A_1045 : memref<1x64x128xf32, #tpu.memory_space<vmem>> -> memref<64x128xf32, #tpu.memory_space<vmem>>
        %dma_start3A_1047 = arith.constant 0 : i32
        %dma_start3A_1048 = tpu.memref_slice %arg3[%dma_start3A_1047, %multiple_of3A_1035] : memref<64x1000000xf32, #tpu.memory_space<hbm>> -> memref<64x128xf32, #tpu.memory_space<hbm>>
        tpu.enqueue_dma source(%dma_start3A_1048 : memref<64x128xf32, #tpu.memory_space<hbm>>) target(%dma_start3A_1046 : memref<64x128xf32, #tpu.memory_space<vmem>>) target_semaphore(%arg9 : memref<!tpu.dma_semaphore, #tpu.memory_space<semaphore_mem>>)
      } else {
      }
      %dma_wait3A_707 = arith.constant 1 : i32
      %dma_wait3A_708 = arith.constant 0 : i32
      %dma_wait3A_709 = arith.constant 0 : i32
      %dma_wait3A_710 = tpu.memref_slice %arg7[%dma_wait3A_707, %dma_wait3A_708, %dma_wait3A_709] : memref<8x64x128xf32, #tpu.memory_space<vmem>> -> memref<1x64x128xf32, #tpu.memory_space<vmem>>
      %dma_wait3A_711 = tpu.memref_squeeze %dma_wait3A_710 : memref<1x64x128xf32, #tpu.memory_space<vmem>> -> memref<64x128xf32, #tpu.memory_space<vmem>>
      %dma_wait3A_712 = arith.constant 0 : i32
      %dma_wait3A_713 = arith.constant 0 : i32
      %dma_wait3A_714 = tpu.memref_slice %arg3[%dma_wait3A_712, %dma_wait3A_713] : memref<64x1000000xf32, #tpu.memory_space<hbm>> -> memref<64x128xf32, #tpu.memory_space<hbm>>
      %dma_wait3A_715 = arith.constant 0 : i32
      %dma_wait3A_716 = arith.constant 0 : i32
      %dma_wait3A_717 = tpu.memref_slice %arg7[%dma_wait3A_707, %dma_wait3A_715, %dma_wait3A_716] : memref<8x64x128xf32, #tpu.memory_space<vmem>> -> memref<1x64x128xf32, #tpu.memory_space<vmem>>
      %dma_wait3A_718 = tpu.memref_squeeze %dma_wait3A_717 : memref<1x64x128xf32, #tpu.memory_space<vmem>> -> memref<64x128xf32, #tpu.memory_space<vmem>>
      %dma_wait3A_719 = arith.constant 0 : i32
      %dma_wait3A_720 = arith.constant 0 : i32
      %dma_wait3A_721 = tpu.memref_slice %arg3[%dma_wait3A_719, %dma_wait3A_720] : memref<64x1000000xf32, #tpu.memory_space<hbm>> -> memref<64x128xf32, #tpu.memory_space<hbm>>
      tpu.wait_dma2 semaphore(%arg10 : memref<!tpu.dma_semaphore, #tpu.memory_space<semaphore_mem>>) src(%dma_wait3A_721 : memref<64x128xf32, #tpu.memory_space<hbm>>) dst(%dma_wait3A_718 : memref<64x128xf32, #tpu.memory_space<vmem>>)
      %slice3A_722 = vector.extract_strided_slice %get3A_170 {offsets = [9], sizes = [1], strides = [1]} : vector<16xi32> to vector<1xi32>
      %squeeze3A_723 = vector.extract %slice3A_722[0] : i32 from vector<1xi32>
      %and3A_724 = arith.constant 127 : i32
      %and3A_725 = arith.andi %squeeze3A_723, %and3A_724 : i32
      %broadcast_in_dim3A_726 = vector.broadcast %and3A_725 : i32 to vector<16xi32>
      %broadcast_in_dim3A_727 = arith.constant 1 : i32
      %broadcast_in_dim3A_728 = vector.broadcast %broadcast_in_dim3A_727 : i32 to vector<16xi32>
      %add3A_729 = arith.constant 9 : i32
      %add3A_730 = arith.addi %multiple_of3A_168, %add3A_729 : i32
      %broadcast_in_dim3A_731 = vector.broadcast %add3A_730 : i32 to vector<16xi32>
      %add3A_732 = arith.constant 0 : i32
      %add3A_733 = vector.broadcast %add3A_732 : i32 to vector<16xi32>
      %add3A_734 = arith.addi %add3A_733, %iota3A : vector<16xi32>
      %gather3A_735 = tpu.vector_load_idx %arg7[%broadcast_in_dim3A_728, %add3A_734, %broadcast_in_dim3A_726] : memref<8x64x128xf32, #tpu.memory_space<vmem>>[vector<16xi32>, vector<16xi32>, vector<16xi32>], vector<16xf32>,
      tpu.vector_store_idx %arg8[%add3A_734, %broadcast_in_dim3A_731], %gather3A_735 {add = true} : memref<64x512xf32, #tpu.memory_space<vmem>>[vector<16xi32>, vector<16xi32>], vector<16xf32>,
      %add3A_736 = arith.constant 16 : i32
      %add3A_737 = vector.broadcast %add3A_736 : i32 to vector<16xi32>
      %add3A_738 = arith.addi %add3A_737, %iota3A : vector<16xi32>
      %gather3A_739 = tpu.vector_load_idx %arg7[%broadcast_in_dim3A_728, %add3A_738, %broadcast_in_dim3A_726] : memref<8x64x128xf32, #tpu.memory_space<vmem>>[vector<16xi32>, vector<16xi32>, vector<16xi32>], vector<16xf32>,
      tpu.vector_store_idx %arg8[%add3A_738, %broadcast_in_dim3A_731], %gather3A_739 {add = true} : memref<64x512xf32, #tpu.memory_space<vmem>>[vector<16xi32>, vector<16xi32>], vector<16xf32>,
      %add3A_740 = arith.constant 32 : i32
      %add3A_741 = vector.broadcast %add3A_740 : i32 to vector<16xi32>
      %add3A_742 = arith.addi %add3A_741, %iota3A : vector<16xi32>
      %gather3A_743 = tpu.vector_load_idx %arg7[%broadcast_in_dim3A_728, %add3A_742, %broadcast_in_dim3A_726] : memref<8x64x128xf32, #tpu.memory_space<vmem>>[vector<16xi32>, vector<16xi32>, vector<16xi32>], vector<16xf32>,
      tpu.vector_store_idx %arg8[%add3A_742, %broadcast_in_dim3A_731], %gather3A_743 {add = true} : memref<64x512xf32, #tpu.memory_space<vmem>>[vector<16xi32>, vector<16xi32>], vector<16xf32>,
      %add3A_744 = arith.constant 48 : i32
      %add3A_745 = vector.broadcast %add3A_744 : i32 to vector<16xi32>
      %add3A_746 = arith.addi %add3A_745, %iota3A : vector<16xi32>
      %gather3A_747 = tpu.vector_load_idx %arg7[%broadcast_in_dim3A_728, %add3A_746, %broadcast_in_dim3A_726] : memref<8x64x128xf32, #tpu.memory_space<vmem>>[vector<16xi32>, vector<16xi32>, vector<16xi32>], vector<16xf32>,
      tpu.vector_store_idx %arg8[%add3A_746, %broadcast_in_dim3A_731], %gather3A_747 {add = true} : memref<64x512xf32, #tpu.memory_space<vmem>>[vector<16xi32>, vector<16xi32>], vector<16xf32>,
      %not3A_748 = arith.constant true
      %not3A_749 = arith.xori %eq3A_179, %not3A_748 : i1
      %convert_element_type3A_750 = arith.extui %not3A_749 : i1 to i32
      %cond3A_751 = arith.constant 0 : i32
      %cond3A_752 = arith.cmpi ne, %convert_element_type3A_750, %cond3A_751 : i32
      scf.if %cond3A_752 {
        %slice3A_1029 = vector.extract_strided_slice %get3A_178 {offsets = [1], sizes = [1], strides = [1]} : vector<16xi32> to vector<1xi32>
        %squeeze3A_1030 = vector.extract %slice3A_1029[0] : i32 from vector<1xi32>
        %shift_right_arithmetic3A_1031 = arith.constant 7 : i32
        %shift_right_arithmetic3A_1032 = arith.shrsi %squeeze3A_1030, %shift_right_arithmetic3A_1031 : i32
        %mul3A_1033 = arith.constant 128 : i32
        %mul3A_1034 = arith.muli %shift_right_arithmetic3A_1032, %mul3A_1033 : i32
        %multiple_of3A_1035 = tpu.assume_multiple %mul3A_1034, 128 : i32
        %dma_start3A_1036 = arith.constant 1 : i32
        %dma_start3A_1037 = arith.constant 0 : i32
        %dma_start3A_1038 = arith.constant 0 : i32
        %dma_start3A_1039 = tpu.memref_slice %arg7[%dma_start3A_1036, %dma_start3A_1037, %dma_start3A_1038] : memref<8x64x128xf32, #tpu.memory_space<vmem>> -> memref<1x64x128xf32, #tpu.memory_space<vmem>>
        %dma_start3A_1040 = tpu.memref_squeeze %dma_start3A_1039 : memref<1x64x128xf32, #tpu.memory_space<vmem>> -> memref<64x128xf32, #tpu.memory_space<vmem>>
        %dma_start3A_1041 = arith.constant 0 : i32
        %dma_start3A_1042 = tpu.memref_slice %arg3[%dma_start3A_1041, %multiple_of3A_1035] : memref<64x1000000xf32, #tpu.memory_space<hbm>> -> memref<64x128xf32, #tpu.memory_space<hbm>>
        %dma_start3A_1043 = arith.constant 0 : i32
        %dma_start3A_1044 = arith.constant 0 : i32
        %dma_start3A_1045 = tpu.memref_slice %arg7[%dma_start3A_1036, %dma_start3A_1043, %dma_start3A_1044] : memref<8x64x128xf32, #tpu.memory_space<vmem>> -> memref<1x64x128xf32, #tpu.memory_space<vmem>>
        %dma_start3A_1046 = tpu.memref_squeeze %dma_start3A_1045 : memref<1x64x128xf32, #tpu.memory_space<vmem>> -> memref<64x128xf32, #tpu.memory_space<vmem>>
        %dma_start3A_1047 = arith.constant 0 : i32
        %dma_start3A_1048 = tpu.memref_slice %arg3[%dma_start3A_1047, %multiple_of3A_1035] : memref<64x1000000xf32, #tpu.memory_space<hbm>> -> memref<64x128xf32, #tpu.memory_space<hbm>>
        tpu.enqueue_dma source(%dma_start3A_1048 : memref<64x128xf32, #tpu.memory_space<hbm>>) target(%dma_start3A_1046 : memref<64x128xf32, #tpu.memory_space<vmem>>) target_semaphore(%arg10 : memref<!tpu.dma_semaphore, #tpu.memory_space<semaphore_mem>>)
      } else {
      }
      %dma_wait3A_753 = arith.constant 2 : i32
      %dma_wait3A_754 = arith.constant 0 : i32
      %dma_wait3A_755 = arith.constant 0 : i32
      %dma_wait3A_756 = tpu.memref_slice %arg7[%dma_wait3A_753, %dma_wait3A_754, %dma_wait3A_755] : memref<8x64x128xf32, #tpu.memory_space<vmem>> -> memref<1x64x128xf32, #tpu.memory_space<vmem>>
      %dma_wait3A_757 = tpu.memref_squeeze %dma_wait3A_756 : memref<1x64x128xf32, #tpu.memory_space<vmem>> -> memref<64x128xf32, #tpu.memory_space<vmem>>
      %dma_wait3A_758 = arith.constant 0 : i32
      %dma_wait3A_759 = arith.constant 0 : i32
      %dma_wait3A_760 = tpu.memref_slice %arg3[%dma_wait3A_758, %dma_wait3A_759] : memref<64x1000000xf32, #tpu.memory_space<hbm>> -> memref<64x128xf32, #tpu.memory_space<hbm>>
      %dma_wait3A_761 = arith.constant 0 : i32
      %dma_wait3A_762 = arith.constant 0 : i32
      %dma_wait3A_763 = tpu.memref_slice %arg7[%dma_wait3A_753, %dma_wait3A_761, %dma_wait3A_762] : memref<8x64x128xf32, #tpu.memory_space<vmem>> -> memref<1x64x128xf32, #tpu.memory_space<vmem>>
      %dma_wait3A_764 = tpu.memref_squeeze %dma_wait3A_763 : memref<1x64x128xf32, #tpu.memory_space<vmem>> -> memref<64x128xf32, #tpu.memory_space<vmem>>
      %dma_wait3A_765 = arith.constant 0 : i32
      %dma_wait3A_766 = arith.constant 0 : i32
      %dma_wait3A_767 = tpu.memref_slice %arg3[%dma_wait3A_765, %dma_wait3A_766] : memref<64x1000000xf32, #tpu.memory_space<hbm>> -> memref<64x128xf32, #tpu.memory_space<hbm>>
      tpu.wait_dma2 semaphore(%arg11 : memref<!tpu.dma_semaphore, #tpu.memory_space<semaphore_mem>>) src(%dma_wait3A_767 : memref<64x128xf32, #tpu.memory_space<hbm>>) dst(%dma_wait3A_764 : memref<64x128xf32, #tpu.memory_space<vmem>>)
      %slice3A_768 = vector.extract_strided_slice %get3A_170 {offsets = [10], sizes = [1], strides = [1]} : vector<16xi32> to vector<1xi32>
      %squeeze3A_769 = vector.extract %slice3A_768[0] : i32 from vector<1xi32>
      %and3A_770 = arith.constant 127 : i32
      %and3A_771 = arith.andi %squeeze3A_769, %and3A_770 : i32
      %broadcast_in_dim3A_772 = vector.broadcast %and3A_771 : i32 to vector<16xi32>
      %broadcast_in_dim3A_773 = arith.constant 2 : i32
      %broadcast_in_dim3A_774 = vector.broadcast %broadcast_in_dim3A_773 : i32 to vector<16xi32>
      %add3A_775 = arith.constant 10 : i32
      %add3A_776 = arith.addi %multiple_of3A_168, %add3A_775 : i32
      %broadcast_in_dim3A_777 = vector.broadcast %add3A_776 : i32 to vector<16xi32>
      %add3A_778 = arith.constant 0 : i32
      %add3A_779 = vector.broadcast %add3A_778 : i32 to vector<16xi32>
      %add3A_780 = arith.addi %add3A_779, %iota3A : vector<16xi32>
      %gather3A_781 = tpu.vector_load_idx %arg7[%broadcast_in_dim3A_774, %add3A_780, %broadcast_in_dim3A_772] : memref<8x64x128xf32, #tpu.memory_space<vmem>>[vector<16xi32>, vector<16xi32>, vector<16xi32>], vector<16xf32>,
      tpu.vector_store_idx %arg8[%add3A_780, %broadcast_in_dim3A_777], %gather3A_781 {add = true} : memref<64x512xf32, #tpu.memory_space<vmem>>[vector<16xi32>, vector<16xi32>], vector<16xf32>,
      %add3A_782 = arith.constant 16 : i32
      %add3A_783 = vector.broadcast %add3A_782 : i32 to vector<16xi32>
      %add3A_784 = arith.addi %add3A_783, %iota3A : vector<16xi32>
      %gather3A_785 = tpu.vector_load_idx %arg7[%broadcast_in_dim3A_774, %add3A_784, %broadcast_in_dim3A_772] : memref<8x64x128xf32, #tpu.memory_space<vmem>>[vector<16xi32>, vector<16xi32>, vector<16xi32>], vector<16xf32>,
      tpu.vector_store_idx %arg8[%add3A_784, %broadcast_in_dim3A_777], %gather3A_785 {add = true} : memref<64x512xf32, #tpu.memory_space<vmem>>[vector<16xi32>, vector<16xi32>], vector<16xf32>,
      %add3A_786 = arith.constant 32 : i32
      %add3A_787 = vector.broadcast %add3A_786 : i32 to vector<16xi32>
      %add3A_788 = arith.addi %add3A_787, %iota3A : vector<16xi32>
      %gather3A_789 = tpu.vector_load_idx %arg7[%broadcast_in_dim3A_774, %add3A_788, %broadcast_in_dim3A_772] : memref<8x64x128xf32, #tpu.memory_space<vmem>>[vector<16xi32>, vector<16xi32>, vector<16xi32>], vector<16xf32>,
      tpu.vector_store_idx %arg8[%add3A_788, %broadcast_in_dim3A_777], %gather3A_789 {add = true} : memref<64x512xf32, #tpu.memory_space<vmem>>[vector<16xi32>, vector<16xi32>], vector<16xf32>,
      %add3A_790 = arith.constant 48 : i32
      %add3A_791 = vector.broadcast %add3A_790 : i32 to vector<16xi32>
      %add3A_792 = arith.addi %add3A_791, %iota3A : vector<16xi32>
      %gather3A_793 = tpu.vector_load_idx %arg7[%broadcast_in_dim3A_774, %add3A_792, %broadcast_in_dim3A_772] : memref<8x64x128xf32, #tpu.memory_space<vmem>>[vector<16xi32>, vector<16xi32>, vector<16xi32>], vector<16xf32>,
      tpu.vector_store_idx %arg8[%add3A_792, %broadcast_in_dim3A_777], %gather3A_793 {add = true} : memref<64x512xf32, #tpu.memory_space<vmem>>[vector<16xi32>, vector<16xi32>], vector<16xf32>,
      %not3A_794 = arith.constant true
      %not3A_795 = arith.xori %eq3A_179, %not3A_794 : i1
      %convert_element_type3A_796 = arith.extui %not3A_795 : i1 to i32
      %cond3A_797 = arith.constant 0 : i32
      %cond3A_798 = arith.cmpi ne, %convert_element_type3A_796, %cond3A_797 : i32
      scf.if %cond3A_798 {
        %slice3A_1029 = vector.extract_strided_slice %get3A_178 {offsets = [2], sizes = [1], strides = [1]} : vector<16xi32> to vector<1xi32>
        %squeeze3A_1030 = vector.extract %slice3A_1029[0] : i32 from vector<1xi32>
        %shift_right_arithmetic3A_1031 = arith.constant 7 : i32
        %shift_right_arithmetic3A_1032 = arith.shrsi %squeeze3A_1030, %shift_right_arithmetic3A_1031 : i32
        %mul3A_1033 = arith.constant 128 : i32
        %mul3A_1034 = arith.muli %shift_right_arithmetic3A_1032, %mul3A_1033 : i32
        %multiple_of3A_1035 = tpu.assume_multiple %mul3A_1034, 128 : i32
        %dma_start3A_1036 = arith.constant 2 : i32
        %dma_start3A_1037 = arith.constant 0 : i32
        %dma_start3A_1038 = arith.constant 0 : i32
        %dma_start3A_1039 = tpu.memref_slice %arg7[%dma_start3A_1036, %dma_start3A_1037, %dma_start3A_1038] : memref<8x64x128xf32, #tpu.memory_space<vmem>> -> memref<1x64x128xf32, #tpu.memory_space<vmem>>
        %dma_start3A_1040 = tpu.memref_squeeze %dma_start3A_1039 : memref<1x64x128xf32, #tpu.memory_space<vmem>> -> memref<64x128xf32, #tpu.memory_space<vmem>>
        %dma_start3A_1041 = arith.constant 0 : i32
        %dma_start3A_1042 = tpu.memref_slice %arg3[%dma_start3A_1041, %multiple_of3A_1035] : memref<64x1000000xf32, #tpu.memory_space<hbm>> -> memref<64x128xf32, #tpu.memory_space<hbm>>
        %dma_start3A_1043 = arith.constant 0 : i32
        %dma_start3A_1044 = arith.constant 0 : i32
        %dma_start3A_1045 = tpu.memref_slice %arg7[%dma_start3A_1036, %dma_start3A_1043, %dma_start3A_1044] : memref<8x64x128xf32, #tpu.memory_space<vmem>> -> memref<1x64x128xf32, #tpu.memory_space<vmem>>
        %dma_start3A_1046 = tpu.memref_squeeze %dma_start3A_1045 : memref<1x64x128xf32, #tpu.memory_space<vmem>> -> memref<64x128xf32, #tpu.memory_space<vmem>>
        %dma_start3A_1047 = arith.constant 0 : i32
        %dma_start3A_1048 = tpu.memref_slice %arg3[%dma_start3A_1047, %multiple_of3A_1035] : memref<64x1000000xf32, #tpu.memory_space<hbm>> -> memref<64x128xf32, #tpu.memory_space<hbm>>
        tpu.enqueue_dma source(%dma_start3A_1048 : memref<64x128xf32, #tpu.memory_space<hbm>>) target(%dma_start3A_1046 : memref<64x128xf32, #tpu.memory_space<vmem>>) target_semaphore(%arg11 : memref<!tpu.dma_semaphore, #tpu.memory_space<semaphore_mem>>)
      } else {
      }
      %dma_wait3A_799 = arith.constant 3 : i32
      %dma_wait3A_800 = arith.constant 0 : i32
      %dma_wait3A_801 = arith.constant 0 : i32
      %dma_wait3A_802 = tpu.memref_slice %arg7[%dma_wait3A_799, %dma_wait3A_800, %dma_wait3A_801] : memref<8x64x128xf32, #tpu.memory_space<vmem>> -> memref<1x64x128xf32, #tpu.memory_space<vmem>>
      %dma_wait3A_803 = tpu.memref_squeeze %dma_wait3A_802 : memref<1x64x128xf32, #tpu.memory_space<vmem>> -> memref<64x128xf32, #tpu.memory_space<vmem>>
      %dma_wait3A_804 = arith.constant 0 : i32
      %dma_wait3A_805 = arith.constant 0 : i32
      %dma_wait3A_806 = tpu.memref_slice %arg3[%dma_wait3A_804, %dma_wait3A_805] : memref<64x1000000xf32, #tpu.memory_space<hbm>> -> memref<64x128xf32, #tpu.memory_space<hbm>>
      %dma_wait3A_807 = arith.constant 0 : i32
      %dma_wait3A_808 = arith.constant 0 : i32
      %dma_wait3A_809 = tpu.memref_slice %arg7[%dma_wait3A_799, %dma_wait3A_807, %dma_wait3A_808] : memref<8x64x128xf32, #tpu.memory_space<vmem>> -> memref<1x64x128xf32, #tpu.memory_space<vmem>>
      %dma_wait3A_810 = tpu.memref_squeeze %dma_wait3A_809 : memref<1x64x128xf32, #tpu.memory_space<vmem>> -> memref<64x128xf32, #tpu.memory_space<vmem>>
      %dma_wait3A_811 = arith.constant 0 : i32
      %dma_wait3A_812 = arith.constant 0 : i32
      %dma_wait3A_813 = tpu.memref_slice %arg3[%dma_wait3A_811, %dma_wait3A_812] : memref<64x1000000xf32, #tpu.memory_space<hbm>> -> memref<64x128xf32, #tpu.memory_space<hbm>>
      tpu.wait_dma2 semaphore(%arg12 : memref<!tpu.dma_semaphore, #tpu.memory_space<semaphore_mem>>) src(%dma_wait3A_813 : memref<64x128xf32, #tpu.memory_space<hbm>>) dst(%dma_wait3A_810 : memref<64x128xf32, #tpu.memory_space<vmem>>)
      %slice3A_814 = vector.extract_strided_slice %get3A_170 {offsets = [11], sizes = [1], strides = [1]} : vector<16xi32> to vector<1xi32>
      %squeeze3A_815 = vector.extract %slice3A_814[0] : i32 from vector<1xi32>
      %and3A_816 = arith.constant 127 : i32
      %and3A_817 = arith.andi %squeeze3A_815, %and3A_816 : i32
      %broadcast_in_dim3A_818 = vector.broadcast %and3A_817 : i32 to vector<16xi32>
      %broadcast_in_dim3A_819 = arith.constant 3 : i32
      %broadcast_in_dim3A_820 = vector.broadcast %broadcast_in_dim3A_819 : i32 to vector<16xi32>
      %add3A_821 = arith.constant 11 : i32
      %add3A_822 = arith.addi %multiple_of3A_168, %add3A_821 : i32
      %broadcast_in_dim3A_823 = vector.broadcast %add3A_822 : i32 to vector<16xi32>
      %add3A_824 = arith.constant 0 : i32
      %add3A_825 = vector.broadcast %add3A_824 : i32 to vector<16xi32>
      %add3A_826 = arith.addi %add3A_825, %iota3A : vector<16xi32>
      %gather3A_827 = tpu.vector_load_idx %arg7[%broadcast_in_dim3A_820, %add3A_826, %broadcast_in_dim3A_818] : memref<8x64x128xf32, #tpu.memory_space<vmem>>[vector<16xi32>, vector<16xi32>, vector<16xi32>], vector<16xf32>,
      tpu.vector_store_idx %arg8[%add3A_826, %broadcast_in_dim3A_823], %gather3A_827 {add = true} : memref<64x512xf32, #tpu.memory_space<vmem>>[vector<16xi32>, vector<16xi32>], vector<16xf32>,
      %add3A_828 = arith.constant 16 : i32
      %add3A_829 = vector.broadcast %add3A_828 : i32 to vector<16xi32>
      %add3A_830 = arith.addi %add3A_829, %iota3A : vector<16xi32>
      %gather3A_831 = tpu.vector_load_idx %arg7[%broadcast_in_dim3A_820, %add3A_830, %broadcast_in_dim3A_818] : memref<8x64x128xf32, #tpu.memory_space<vmem>>[vector<16xi32>, vector<16xi32>, vector<16xi32>], vector<16xf32>,
      tpu.vector_store_idx %arg8[%add3A_830, %broadcast_in_dim3A_823], %gather3A_831 {add = true} : memref<64x512xf32, #tpu.memory_space<vmem>>[vector<16xi32>, vector<16xi32>], vector<16xf32>,
      %add3A_832 = arith.constant 32 : i32
      %add3A_833 = vector.broadcast %add3A_832 : i32 to vector<16xi32>
      %add3A_834 = arith.addi %add3A_833, %iota3A : vector<16xi32>
      %gather3A_835 = tpu.vector_load_idx %arg7[%broadcast_in_dim3A_820, %add3A_834, %broadcast_in_dim3A_818] : memref<8x64x128xf32, #tpu.memory_space<vmem>>[vector<16xi32>, vector<16xi32>, vector<16xi32>], vector<16xf32>,
      tpu.vector_store_idx %arg8[%add3A_834, %broadcast_in_dim3A_823], %gather3A_835 {add = true} : memref<64x512xf32, #tpu.memory_space<vmem>>[vector<16xi32>, vector<16xi32>], vector<16xf32>,
      %add3A_836 = arith.constant 48 : i32
      %add3A_837 = vector.broadcast %add3A_836 : i32 to vector<16xi32>
      %add3A_838 = arith.addi %add3A_837, %iota3A : vector<16xi32>
      %gather3A_839 = tpu.vector_load_idx %arg7[%broadcast_in_dim3A_820, %add3A_838, %broadcast_in_dim3A_818] : memref<8x64x128xf32, #tpu.memory_space<vmem>>[vector<16xi32>, vector<16xi32>, vector<16xi32>], vector<16xf32>,
      tpu.vector_store_idx %arg8[%add3A_838, %broadcast_in_dim3A_823], %gather3A_839 {add = true} : memref<64x512xf32, #tpu.memory_space<vmem>>[vector<16xi32>, vector<16xi32>], vector<16xf32>,
      %not3A_840 = arith.constant true
      %not3A_841 = arith.xori %eq3A_179, %not3A_840 : i1
      %convert_element_type3A_842 = arith.extui %not3A_841 : i1 to i32
      %cond3A_843 = arith.constant 0 : i32
      %cond3A_844 = arith.cmpi ne, %convert_element_type3A_842, %cond3A_843 : i32
      scf.if %cond3A_844 {
        %slice3A_1029 = vector.extract_strided_slice %get3A_178 {offsets = [3], sizes = [1], strides = [1]} : vector<16xi32> to vector<1xi32>
        %squeeze3A_1030 = vector.extract %slice3A_1029[0] : i32 from vector<1xi32>
        %shift_right_arithmetic3A_1031 = arith.constant 7 : i32
        %shift_right_arithmetic3A_1032 = arith.shrsi %squeeze3A_1030, %shift_right_arithmetic3A_1031 : i32
        %mul3A_1033 = arith.constant 128 : i32
        %mul3A_1034 = arith.muli %shift_right_arithmetic3A_1032, %mul3A_1033 : i32
        %multiple_of3A_1035 = tpu.assume_multiple %mul3A_1034, 128 : i32
        %dma_start3A_1036 = arith.constant 3 : i32
        %dma_start3A_1037 = arith.constant 0 : i32
        %dma_start3A_1038 = arith.constant 0 : i32
        %dma_start3A_1039 = tpu.memref_slice %arg7[%dma_start3A_1036, %dma_start3A_1037, %dma_start3A_1038] : memref<8x64x128xf32, #tpu.memory_space<vmem>> -> memref<1x64x128xf32, #tpu.memory_space<vmem>>
        %dma_start3A_1040 = tpu.memref_squeeze %dma_start3A_1039 : memref<1x64x128xf32, #tpu.memory_space<vmem>> -> memref<64x128xf32, #tpu.memory_space<vmem>>
        %dma_start3A_1041 = arith.constant 0 : i32
        %dma_start3A_1042 = tpu.memref_slice %arg3[%dma_start3A_1041, %multiple_of3A_1035] : memref<64x1000000xf32, #tpu.memory_space<hbm>> -> memref<64x128xf32, #tpu.memory_space<hbm>>
        %dma_start3A_1043 = arith.constant 0 : i32
        %dma_start3A_1044 = arith.constant 0 : i32
        %dma_start3A_1045 = tpu.memref_slice %arg7[%dma_start3A_1036, %dma_start3A_1043, %dma_start3A_1044] : memref<8x64x128xf32, #tpu.memory_space<vmem>> -> memref<1x64x128xf32, #tpu.memory_space<vmem>>
        %dma_start3A_1046 = tpu.memref_squeeze %dma_start3A_1045 : memref<1x64x128xf32, #tpu.memory_space<vmem>> -> memref<64x128xf32, #tpu.memory_space<vmem>>
        %dma_start3A_1047 = arith.constant 0 : i32
        %dma_start3A_1048 = tpu.memref_slice %arg3[%dma_start3A_1047, %multiple_of3A_1035] : memref<64x1000000xf32, #tpu.memory_space<hbm>> -> memref<64x128xf32, #tpu.memory_space<hbm>>
        tpu.enqueue_dma source(%dma_start3A_1048 : memref<64x128xf32, #tpu.memory_space<hbm>>) target(%dma_start3A_1046 : memref<64x128xf32, #tpu.memory_space<vmem>>) target_semaphore(%arg12 : memref<!tpu.dma_semaphore, #tpu.memory_space<semaphore_mem>>)
      } else {
      }
      %dma_wait3A_845 = arith.constant 4 : i32
      %dma_wait3A_846 = arith.constant 0 : i32
      %dma_wait3A_847 = arith.constant 0 : i32
      %dma_wait3A_848 = tpu.memref_slice %arg7[%dma_wait3A_845, %dma_wait3A_846, %dma_wait3A_847] : memref<8x64x128xf32, #tpu.memory_space<vmem>> -> memref<1x64x128xf32, #tpu.memory_space<vmem>>
      %dma_wait3A_849 = tpu.memref_squeeze %dma_wait3A_848 : memref<1x64x128xf32, #tpu.memory_space<vmem>> -> memref<64x128xf32, #tpu.memory_space<vmem>>
      %dma_wait3A_850 = arith.constant 0 : i32
      %dma_wait3A_851 = arith.constant 0 : i32
      %dma_wait3A_852 = tpu.memref_slice %arg3[%dma_wait3A_850, %dma_wait3A_851] : memref<64x1000000xf32, #tpu.memory_space<hbm>> -> memref<64x128xf32, #tpu.memory_space<hbm>>
      %dma_wait3A_853 = arith.constant 0 : i32
      %dma_wait3A_854 = arith.constant 0 : i32
      %dma_wait3A_855 = tpu.memref_slice %arg7[%dma_wait3A_845, %dma_wait3A_853, %dma_wait3A_854] : memref<8x64x128xf32, #tpu.memory_space<vmem>> -> memref<1x64x128xf32, #tpu.memory_space<vmem>>
      %dma_wait3A_856 = tpu.memref_squeeze %dma_wait3A_855 : memref<1x64x128xf32, #tpu.memory_space<vmem>> -> memref<64x128xf32, #tpu.memory_space<vmem>>
      %dma_wait3A_857 = arith.constant 0 : i32
      %dma_wait3A_858 = arith.constant 0 : i32
      %dma_wait3A_859 = tpu.memref_slice %arg3[%dma_wait3A_857, %dma_wait3A_858] : memref<64x1000000xf32, #tpu.memory_space<hbm>> -> memref<64x128xf32, #tpu.memory_space<hbm>>
      tpu.wait_dma2 semaphore(%arg13 : memref<!tpu.dma_semaphore, #tpu.memory_space<semaphore_mem>>) src(%dma_wait3A_859 : memref<64x128xf32, #tpu.memory_space<hbm>>) dst(%dma_wait3A_856 : memref<64x128xf32, #tpu.memory_space<vmem>>)
      %slice3A_860 = vector.extract_strided_slice %get3A_170 {offsets = [12], sizes = [1], strides = [1]} : vector<16xi32> to vector<1xi32>
      %squeeze3A_861 = vector.extract %slice3A_860[0] : i32 from vector<1xi32>
      %and3A_862 = arith.constant 127 : i32
      %and3A_863 = arith.andi %squeeze3A_861, %and3A_862 : i32
      %broadcast_in_dim3A_864 = vector.broadcast %and3A_863 : i32 to vector<16xi32>
      %broadcast_in_dim3A_865 = arith.constant 4 : i32
      %broadcast_in_dim3A_866 = vector.broadcast %broadcast_in_dim3A_865 : i32 to vector<16xi32>
      %add3A_867 = arith.constant 12 : i32
      %add3A_868 = arith.addi %multiple_of3A_168, %add3A_867 : i32
      %broadcast_in_dim3A_869 = vector.broadcast %add3A_868 : i32 to vector<16xi32>
      %add3A_870 = arith.constant 0 : i32
      %add3A_871 = vector.broadcast %add3A_870 : i32 to vector<16xi32>
      %add3A_872 = arith.addi %add3A_871, %iota3A : vector<16xi32>
      %gather3A_873 = tpu.vector_load_idx %arg7[%broadcast_in_dim3A_866, %add3A_872, %broadcast_in_dim3A_864] : memref<8x64x128xf32, #tpu.memory_space<vmem>>[vector<16xi32>, vector<16xi32>, vector<16xi32>], vector<16xf32>,
      tpu.vector_store_idx %arg8[%add3A_872, %broadcast_in_dim3A_869], %gather3A_873 {add = true} : memref<64x512xf32, #tpu.memory_space<vmem>>[vector<16xi32>, vector<16xi32>], vector<16xf32>,
      %add3A_874 = arith.constant 16 : i32
      %add3A_875 = vector.broadcast %add3A_874 : i32 to vector<16xi32>
      %add3A_876 = arith.addi %add3A_875, %iota3A : vector<16xi32>
      %gather3A_877 = tpu.vector_load_idx %arg7[%broadcast_in_dim3A_866, %add3A_876, %broadcast_in_dim3A_864] : memref<8x64x128xf32, #tpu.memory_space<vmem>>[vector<16xi32>, vector<16xi32>, vector<16xi32>], vector<16xf32>,
      tpu.vector_store_idx %arg8[%add3A_876, %broadcast_in_dim3A_869], %gather3A_877 {add = true} : memref<64x512xf32, #tpu.memory_space<vmem>>[vector<16xi32>, vector<16xi32>], vector<16xf32>,
      %add3A_878 = arith.constant 32 : i32
      %add3A_879 = vector.broadcast %add3A_878 : i32 to vector<16xi32>
      %add3A_880 = arith.addi %add3A_879, %iota3A : vector<16xi32>
      %gather3A_881 = tpu.vector_load_idx %arg7[%broadcast_in_dim3A_866, %add3A_880, %broadcast_in_dim3A_864] : memref<8x64x128xf32, #tpu.memory_space<vmem>>[vector<16xi32>, vector<16xi32>, vector<16xi32>], vector<16xf32>,
      tpu.vector_store_idx %arg8[%add3A_880, %broadcast_in_dim3A_869], %gather3A_881 {add = true} : memref<64x512xf32, #tpu.memory_space<vmem>>[vector<16xi32>, vector<16xi32>], vector<16xf32>,
      %add3A_882 = arith.constant 48 : i32
      %add3A_883 = vector.broadcast %add3A_882 : i32 to vector<16xi32>
      %add3A_884 = arith.addi %add3A_883, %iota3A : vector<16xi32>
      %gather3A_885 = tpu.vector_load_idx %arg7[%broadcast_in_dim3A_866, %add3A_884, %broadcast_in_dim3A_864] : memref<8x64x128xf32, #tpu.memory_space<vmem>>[vector<16xi32>, vector<16xi32>, vector<16xi32>], vector<16xf32>,
      tpu.vector_store_idx %arg8[%add3A_884, %broadcast_in_dim3A_869], %gather3A_885 {add = true} : memref<64x512xf32, #tpu.memory_space<vmem>>[vector<16xi32>, vector<16xi32>], vector<16xf32>,
      %not3A_886 = arith.constant true
      %not3A_887 = arith.xori %eq3A_179, %not3A_886 : i1
      %convert_element_type3A_888 = arith.extui %not3A_887 : i1 to i32
      %cond3A_889 = arith.constant 0 : i32
      %cond3A_890 = arith.cmpi ne, %convert_element_type3A_888, %cond3A_889 : i32
      scf.if %cond3A_890 {
        %slice3A_1029 = vector.extract_strided_slice %get3A_178 {offsets = [4], sizes = [1], strides = [1]} : vector<16xi32> to vector<1xi32>
        %squeeze3A_1030 = vector.extract %slice3A_1029[0] : i32 from vector<1xi32>
        %shift_right_arithmetic3A_1031 = arith.constant 7 : i32
        %shift_right_arithmetic3A_1032 = arith.shrsi %squeeze3A_1030, %shift_right_arithmetic3A_1031 : i32
        %mul3A_1033 = arith.constant 128 : i32
        %mul3A_1034 = arith.muli %shift_right_arithmetic3A_1032, %mul3A_1033 : i32
        %multiple_of3A_1035 = tpu.assume_multiple %mul3A_1034, 128 : i32
        %dma_start3A_1036 = arith.constant 4 : i32
        %dma_start3A_1037 = arith.constant 0 : i32
        %dma_start3A_1038 = arith.constant 0 : i32
        %dma_start3A_1039 = tpu.memref_slice %arg7[%dma_start3A_1036, %dma_start3A_1037, %dma_start3A_1038] : memref<8x64x128xf32, #tpu.memory_space<vmem>> -> memref<1x64x128xf32, #tpu.memory_space<vmem>>
        %dma_start3A_1040 = tpu.memref_squeeze %dma_start3A_1039 : memref<1x64x128xf32, #tpu.memory_space<vmem>> -> memref<64x128xf32, #tpu.memory_space<vmem>>
        %dma_start3A_1041 = arith.constant 0 : i32
        %dma_start3A_1042 = tpu.memref_slice %arg3[%dma_start3A_1041, %multiple_of3A_1035] : memref<64x1000000xf32, #tpu.memory_space<hbm>> -> memref<64x128xf32, #tpu.memory_space<hbm>>
        %dma_start3A_1043 = arith.constant 0 : i32
        %dma_start3A_1044 = arith.constant 0 : i32
        %dma_start3A_1045 = tpu.memref_slice %arg7[%dma_start3A_1036, %dma_start3A_1043, %dma_start3A_1044] : memref<8x64x128xf32, #tpu.memory_space<vmem>> -> memref<1x64x128xf32, #tpu.memory_space<vmem>>
        %dma_start3A_1046 = tpu.memref_squeeze %dma_start3A_1045 : memref<1x64x128xf32, #tpu.memory_space<vmem>> -> memref<64x128xf32, #tpu.memory_space<vmem>>
        %dma_start3A_1047 = arith.constant 0 : i32
        %dma_start3A_1048 = tpu.memref_slice %arg3[%dma_start3A_1047, %multiple_of3A_1035] : memref<64x1000000xf32, #tpu.memory_space<hbm>> -> memref<64x128xf32, #tpu.memory_space<hbm>>
        tpu.enqueue_dma source(%dma_start3A_1048 : memref<64x128xf32, #tpu.memory_space<hbm>>) target(%dma_start3A_1046 : memref<64x128xf32, #tpu.memory_space<vmem>>) target_semaphore(%arg13 : memref<!tpu.dma_semaphore, #tpu.memory_space<semaphore_mem>>)
      } else {
      }
      %dma_wait3A_891 = arith.constant 5 : i32
      %dma_wait3A_892 = arith.constant 0 : i32
      %dma_wait3A_893 = arith.constant 0 : i32
      %dma_wait3A_894 = tpu.memref_slice %arg7[%dma_wait3A_891, %dma_wait3A_892, %dma_wait3A_893] : memref<8x64x128xf32, #tpu.memory_space<vmem>> -> memref<1x64x128xf32, #tpu.memory_space<vmem>>
      %dma_wait3A_895 = tpu.memref_squeeze %dma_wait3A_894 : memref<1x64x128xf32, #tpu.memory_space<vmem>> -> memref<64x128xf32, #tpu.memory_space<vmem>>
      %dma_wait3A_896 = arith.constant 0 : i32
      %dma_wait3A_897 = arith.constant 0 : i32
      %dma_wait3A_898 = tpu.memref_slice %arg3[%dma_wait3A_896, %dma_wait3A_897] : memref<64x1000000xf32, #tpu.memory_space<hbm>> -> memref<64x128xf32, #tpu.memory_space<hbm>>
      %dma_wait3A_899 = arith.constant 0 : i32
      %dma_wait3A_900 = arith.constant 0 : i32
      %dma_wait3A_901 = tpu.memref_slice %arg7[%dma_wait3A_891, %dma_wait3A_899, %dma_wait3A_900] : memref<8x64x128xf32, #tpu.memory_space<vmem>> -> memref<1x64x128xf32, #tpu.memory_space<vmem>>
      %dma_wait3A_902 = tpu.memref_squeeze %dma_wait3A_901 : memref<1x64x128xf32, #tpu.memory_space<vmem>> -> memref<64x128xf32, #tpu.memory_space<vmem>>
      %dma_wait3A_903 = arith.constant 0 : i32
      %dma_wait3A_904 = arith.constant 0 : i32
      %dma_wait3A_905 = tpu.memref_slice %arg3[%dma_wait3A_903, %dma_wait3A_904] : memref<64x1000000xf32, #tpu.memory_space<hbm>> -> memref<64x128xf32, #tpu.memory_space<hbm>>
      tpu.wait_dma2 semaphore(%arg14 : memref<!tpu.dma_semaphore, #tpu.memory_space<semaphore_mem>>) src(%dma_wait3A_905 : memref<64x128xf32, #tpu.memory_space<hbm>>) dst(%dma_wait3A_902 : memref<64x128xf32, #tpu.memory_space<vmem>>)
      %slice3A_906 = vector.extract_strided_slice %get3A_170 {offsets = [13], sizes = [1], strides = [1]} : vector<16xi32> to vector<1xi32>
      %squeeze3A_907 = vector.extract %slice3A_906[0] : i32 from vector<1xi32>
      %and3A_908 = arith.constant 127 : i32
      %and3A_909 = arith.andi %squeeze3A_907, %and3A_908 : i32
      %broadcast_in_dim3A_910 = vector.broadcast %and3A_909 : i32 to vector<16xi32>
      %broadcast_in_dim3A_911 = arith.constant 5 : i32
      %broadcast_in_dim3A_912 = vector.broadcast %broadcast_in_dim3A_911 : i32 to vector<16xi32>
      %add3A_913 = arith.constant 13 : i32
      %add3A_914 = arith.addi %multiple_of3A_168, %add3A_913 : i32
      %broadcast_in_dim3A_915 = vector.broadcast %add3A_914 : i32 to vector<16xi32>
      %add3A_916 = arith.constant 0 : i32
      %add3A_917 = vector.broadcast %add3A_916 : i32 to vector<16xi32>
      %add3A_918 = arith.addi %add3A_917, %iota3A : vector<16xi32>
      %gather3A_919 = tpu.vector_load_idx %arg7[%broadcast_in_dim3A_912, %add3A_918, %broadcast_in_dim3A_910] : memref<8x64x128xf32, #tpu.memory_space<vmem>>[vector<16xi32>, vector<16xi32>, vector<16xi32>], vector<16xf32>,
      tpu.vector_store_idx %arg8[%add3A_918, %broadcast_in_dim3A_915], %gather3A_919 {add = true} : memref<64x512xf32, #tpu.memory_space<vmem>>[vector<16xi32>, vector<16xi32>], vector<16xf32>,
      %add3A_920 = arith.constant 16 : i32
      %add3A_921 = vector.broadcast %add3A_920 : i32 to vector<16xi32>
      %add3A_922 = arith.addi %add3A_921, %iota3A : vector<16xi32>
      %gather3A_923 = tpu.vector_load_idx %arg7[%broadcast_in_dim3A_912, %add3A_922, %broadcast_in_dim3A_910] : memref<8x64x128xf32, #tpu.memory_space<vmem>>[vector<16xi32>, vector<16xi32>, vector<16xi32>], vector<16xf32>,
      tpu.vector_store_idx %arg8[%add3A_922, %broadcast_in_dim3A_915], %gather3A_923 {add = true} : memref<64x512xf32, #tpu.memory_space<vmem>>[vector<16xi32>, vector<16xi32>], vector<16xf32>,
      %add3A_924 = arith.constant 32 : i32
      %add3A_925 = vector.broadcast %add3A_924 : i32 to vector<16xi32>
      %add3A_926 = arith.addi %add3A_925, %iota3A : vector<16xi32>
      %gather3A_927 = tpu.vector_load_idx %arg7[%broadcast_in_dim3A_912, %add3A_926, %broadcast_in_dim3A_910] : memref<8x64x128xf32, #tpu.memory_space<vmem>>[vector<16xi32>, vector<16xi32>, vector<16xi32>], vector<16xf32>,
      tpu.vector_store_idx %arg8[%add3A_926, %broadcast_in_dim3A_915], %gather3A_927 {add = true} : memref<64x512xf32, #tpu.memory_space<vmem>>[vector<16xi32>, vector<16xi32>], vector<16xf32>,
      %add3A_928 = arith.constant 48 : i32
      %add3A_929 = vector.broadcast %add3A_928 : i32 to vector<16xi32>
      %add3A_930 = arith.addi %add3A_929, %iota3A : vector<16xi32>
      %gather3A_931 = tpu.vector_load_idx %arg7[%broadcast_in_dim3A_912, %add3A_930, %broadcast_in_dim3A_910] : memref<8x64x128xf32, #tpu.memory_space<vmem>>[vector<16xi32>, vector<16xi32>, vector<16xi32>], vector<16xf32>,
      tpu.vector_store_idx %arg8[%add3A_930, %broadcast_in_dim3A_915], %gather3A_931 {add = true} : memref<64x512xf32, #tpu.memory_space<vmem>>[vector<16xi32>, vector<16xi32>], vector<16xf32>,
      %not3A_932 = arith.constant true
      %not3A_933 = arith.xori %eq3A_179, %not3A_932 : i1
      %convert_element_type3A_934 = arith.extui %not3A_933 : i1 to i32
      %cond3A_935 = arith.constant 0 : i32
      %cond3A_936 = arith.cmpi ne, %convert_element_type3A_934, %cond3A_935 : i32
      scf.if %cond3A_936 {
        %slice3A_1029 = vector.extract_strided_slice %get3A_178 {offsets = [5], sizes = [1], strides = [1]} : vector<16xi32> to vector<1xi32>
        %squeeze3A_1030 = vector.extract %slice3A_1029[0] : i32 from vector<1xi32>
        %shift_right_arithmetic3A_1031 = arith.constant 7 : i32
        %shift_right_arithmetic3A_1032 = arith.shrsi %squeeze3A_1030, %shift_right_arithmetic3A_1031 : i32
        %mul3A_1033 = arith.constant 128 : i32
        %mul3A_1034 = arith.muli %shift_right_arithmetic3A_1032, %mul3A_1033 : i32
        %multiple_of3A_1035 = tpu.assume_multiple %mul3A_1034, 128 : i32
        %dma_start3A_1036 = arith.constant 5 : i32
        %dma_start3A_1037 = arith.constant 0 : i32
        %dma_start3A_1038 = arith.constant 0 : i32
        %dma_start3A_1039 = tpu.memref_slice %arg7[%dma_start3A_1036, %dma_start3A_1037, %dma_start3A_1038] : memref<8x64x128xf32, #tpu.memory_space<vmem>> -> memref<1x64x128xf32, #tpu.memory_space<vmem>>
        %dma_start3A_1040 = tpu.memref_squeeze %dma_start3A_1039 : memref<1x64x128xf32, #tpu.memory_space<vmem>> -> memref<64x128xf32, #tpu.memory_space<vmem>>
        %dma_start3A_1041 = arith.constant 0 : i32
        %dma_start3A_1042 = tpu.memref_slice %arg3[%dma_start3A_1041, %multiple_of3A_1035] : memref<64x1000000xf32, #tpu.memory_space<hbm>> -> memref<64x128xf32, #tpu.memory_space<hbm>>
        %dma_start3A_1043 = arith.constant 0 : i32
        %dma_start3A_1044 = arith.constant 0 : i32
        %dma_start3A_1045 = tpu.memref_slice %arg7[%dma_start3A_1036, %dma_start3A_1043, %dma_start3A_1044] : memref<8x64x128xf32, #tpu.memory_space<vmem>> -> memref<1x64x128xf32, #tpu.memory_space<vmem>>
        %dma_start3A_1046 = tpu.memref_squeeze %dma_start3A_1045 : memref<1x64x128xf32, #tpu.memory_space<vmem>> -> memref<64x128xf32, #tpu.memory_space<vmem>>
        %dma_start3A_1047 = arith.constant 0 : i32
        %dma_start3A_1048 = tpu.memref_slice %arg3[%dma_start3A_1047, %multiple_of3A_1035] : memref<64x1000000xf32, #tpu.memory_space<hbm>> -> memref<64x128xf32, #tpu.memory_space<hbm>>
        tpu.enqueue_dma source(%dma_start3A_1048 : memref<64x128xf32, #tpu.memory_space<hbm>>) target(%dma_start3A_1046 : memref<64x128xf32, #tpu.memory_space<vmem>>) target_semaphore(%arg14 : memref<!tpu.dma_semaphore, #tpu.memory_space<semaphore_mem>>)
      } else {
      }
      %dma_wait3A_937 = arith.constant 6 : i32
      %dma_wait3A_938 = arith.constant 0 : i32
      %dma_wait3A_939 = arith.constant 0 : i32
      %dma_wait3A_940 = tpu.memref_slice %arg7[%dma_wait3A_937, %dma_wait3A_938, %dma_wait3A_939] : memref<8x64x128xf32, #tpu.memory_space<vmem>> -> memref<1x64x128xf32, #tpu.memory_space<vmem>>
      %dma_wait3A_941 = tpu.memref_squeeze %dma_wait3A_940 : memref<1x64x128xf32, #tpu.memory_space<vmem>> -> memref<64x128xf32, #tpu.memory_space<vmem>>
      %dma_wait3A_942 = arith.constant 0 : i32
      %dma_wait3A_943 = arith.constant 0 : i32
      %dma_wait3A_944 = tpu.memref_slice %arg3[%dma_wait3A_942, %dma_wait3A_943] : memref<64x1000000xf32, #tpu.memory_space<hbm>> -> memref<64x128xf32, #tpu.memory_space<hbm>>
      %dma_wait3A_945 = arith.constant 0 : i32
      %dma_wait3A_946 = arith.constant 0 : i32
      %dma_wait3A_947 = tpu.memref_slice %arg7[%dma_wait3A_937, %dma_wait3A_945, %dma_wait3A_946] : memref<8x64x128xf32, #tpu.memory_space<vmem>> -> memref<1x64x128xf32, #tpu.memory_space<vmem>>
      %dma_wait3A_948 = tpu.memref_squeeze %dma_wait3A_947 : memref<1x64x128xf32, #tpu.memory_space<vmem>> -> memref<64x128xf32, #tpu.memory_space<vmem>>
      %dma_wait3A_949 = arith.constant 0 : i32
      %dma_wait3A_950 = arith.constant 0 : i32
      %dma_wait3A_951 = tpu.memref_slice %arg3[%dma_wait3A_949, %dma_wait3A_950] : memref<64x1000000xf32, #tpu.memory_space<hbm>> -> memref<64x128xf32, #tpu.memory_space<hbm>>
      tpu.wait_dma2 semaphore(%arg15 : memref<!tpu.dma_semaphore, #tpu.memory_space<semaphore_mem>>) src(%dma_wait3A_951 : memref<64x128xf32, #tpu.memory_space<hbm>>) dst(%dma_wait3A_948 : memref<64x128xf32, #tpu.memory_space<vmem>>)
      %slice3A_952 = vector.extract_strided_slice %get3A_170 {offsets = [14], sizes = [1], strides = [1]} : vector<16xi32> to vector<1xi32>
      %squeeze3A_953 = vector.extract %slice3A_952[0] : i32 from vector<1xi32>
      %and3A_954 = arith.constant 127 : i32
      %and3A_955 = arith.andi %squeeze3A_953, %and3A_954 : i32
      %broadcast_in_dim3A_956 = vector.broadcast %and3A_955 : i32 to vector<16xi32>
      %broadcast_in_dim3A_957 = arith.constant 6 : i32
      %broadcast_in_dim3A_958 = vector.broadcast %broadcast_in_dim3A_957 : i32 to vector<16xi32>
      %add3A_959 = arith.constant 14 : i32
      %add3A_960 = arith.addi %multiple_of3A_168, %add3A_959 : i32
      %broadcast_in_dim3A_961 = vector.broadcast %add3A_960 : i32 to vector<16xi32>
      %add3A_962 = arith.constant 0 : i32
      %add3A_963 = vector.broadcast %add3A_962 : i32 to vector<16xi32>
      %add3A_964 = arith.addi %add3A_963, %iota3A : vector<16xi32>
      %gather3A_965 = tpu.vector_load_idx %arg7[%broadcast_in_dim3A_958, %add3A_964, %broadcast_in_dim3A_956] : memref<8x64x128xf32, #tpu.memory_space<vmem>>[vector<16xi32>, vector<16xi32>, vector<16xi32>], vector<16xf32>,
      tpu.vector_store_idx %arg8[%add3A_964, %broadcast_in_dim3A_961], %gather3A_965 {add = true} : memref<64x512xf32, #tpu.memory_space<vmem>>[vector<16xi32>, vector<16xi32>], vector<16xf32>,
      %add3A_966 = arith.constant 16 : i32
      %add3A_967 = vector.broadcast %add3A_966 : i32 to vector<16xi32>
      %add3A_968 = arith.addi %add3A_967, %iota3A : vector<16xi32>
      %gather3A_969 = tpu.vector_load_idx %arg7[%broadcast_in_dim3A_958, %add3A_968, %broadcast_in_dim3A_956] : memref<8x64x128xf32, #tpu.memory_space<vmem>>[vector<16xi32>, vector<16xi32>, vector<16xi32>], vector<16xf32>,
      tpu.vector_store_idx %arg8[%add3A_968, %broadcast_in_dim3A_961], %gather3A_969 {add = true} : memref<64x512xf32, #tpu.memory_space<vmem>>[vector<16xi32>, vector<16xi32>], vector<16xf32>,
      %add3A_970 = arith.constant 32 : i32
      %add3A_971 = vector.broadcast %add3A_970 : i32 to vector<16xi32>
      %add3A_972 = arith.addi %add3A_971, %iota3A : vector<16xi32>
      %gather3A_973 = tpu.vector_load_idx %arg7[%broadcast_in_dim3A_958, %add3A_972, %broadcast_in_dim3A_956] : memref<8x64x128xf32, #tpu.memory_space<vmem>>[vector<16xi32>, vector<16xi32>, vector<16xi32>], vector<16xf32>,
      tpu.vector_store_idx %arg8[%add3A_972, %broadcast_in_dim3A_961], %gather3A_973 {add = true} : memref<64x512xf32, #tpu.memory_space<vmem>>[vector<16xi32>, vector<16xi32>], vector<16xf32>,
      %add3A_974 = arith.constant 48 : i32
      %add3A_975 = vector.broadcast %add3A_974 : i32 to vector<16xi32>
      %add3A_976 = arith.addi %add3A_975, %iota3A : vector<16xi32>
      %gather3A_977 = tpu.vector_load_idx %arg7[%broadcast_in_dim3A_958, %add3A_976, %broadcast_in_dim3A_956] : memref<8x64x128xf32, #tpu.memory_space<vmem>>[vector<16xi32>, vector<16xi32>, vector<16xi32>], vector<16xf32>,
      tpu.vector_store_idx %arg8[%add3A_976, %broadcast_in_dim3A_961], %gather3A_977 {add = true} : memref<64x512xf32, #tpu.memory_space<vmem>>[vector<16xi32>, vector<16xi32>], vector<16xf32>,
      %not3A_978 = arith.constant true
      %not3A_979 = arith.xori %eq3A_179, %not3A_978 : i1
      %convert_element_type3A_980 = arith.extui %not3A_979 : i1 to i32
      %cond3A_981 = arith.constant 0 : i32
      %cond3A_982 = arith.cmpi ne, %convert_element_type3A_980, %cond3A_981 : i32
      scf.if %cond3A_982 {
        %slice3A_1029 = vector.extract_strided_slice %get3A_178 {offsets = [6], sizes = [1], strides = [1]} : vector<16xi32> to vector<1xi32>
        %squeeze3A_1030 = vector.extract %slice3A_1029[0] : i32 from vector<1xi32>
        %shift_right_arithmetic3A_1031 = arith.constant 7 : i32
        %shift_right_arithmetic3A_1032 = arith.shrsi %squeeze3A_1030, %shift_right_arithmetic3A_1031 : i32
        %mul3A_1033 = arith.constant 128 : i32
        %mul3A_1034 = arith.muli %shift_right_arithmetic3A_1032, %mul3A_1033 : i32
        %multiple_of3A_1035 = tpu.assume_multiple %mul3A_1034, 128 : i32
        %dma_start3A_1036 = arith.constant 6 : i32
        %dma_start3A_1037 = arith.constant 0 : i32
        %dma_start3A_1038 = arith.constant 0 : i32
        %dma_start3A_1039 = tpu.memref_slice %arg7[%dma_start3A_1036, %dma_start3A_1037, %dma_start3A_1038] : memref<8x64x128xf32, #tpu.memory_space<vmem>> -> memref<1x64x128xf32, #tpu.memory_space<vmem>>
        %dma_start3A_1040 = tpu.memref_squeeze %dma_start3A_1039 : memref<1x64x128xf32, #tpu.memory_space<vmem>> -> memref<64x128xf32, #tpu.memory_space<vmem>>
        %dma_start3A_1041 = arith.constant 0 : i32
        %dma_start3A_1042 = tpu.memref_slice %arg3[%dma_start3A_1041, %multiple_of3A_1035] : memref<64x1000000xf32, #tpu.memory_space<hbm>> -> memref<64x128xf32, #tpu.memory_space<hbm>>
        %dma_start3A_1043 = arith.constant 0 : i32
        %dma_start3A_1044 = arith.constant 0 : i32
        %dma_start3A_1045 = tpu.memref_slice %arg7[%dma_start3A_1036, %dma_start3A_1043, %dma_start3A_1044] : memref<8x64x128xf32, #tpu.memory_space<vmem>> -> memref<1x64x128xf32, #tpu.memory_space<vmem>>
        %dma_start3A_1046 = tpu.memref_squeeze %dma_start3A_1045 : memref<1x64x128xf32, #tpu.memory_space<vmem>> -> memref<64x128xf32, #tpu.memory_space<vmem>>
        %dma_start3A_1047 = arith.constant 0 : i32
        %dma_start3A_1048 = tpu.memref_slice %arg3[%dma_start3A_1047, %multiple_of3A_1035] : memref<64x1000000xf32, #tpu.memory_space<hbm>> -> memref<64x128xf32, #tpu.memory_space<hbm>>
        tpu.enqueue_dma source(%dma_start3A_1048 : memref<64x128xf32, #tpu.memory_space<hbm>>) target(%dma_start3A_1046 : memref<64x128xf32, #tpu.memory_space<vmem>>) target_semaphore(%arg15 : memref<!tpu.dma_semaphore, #tpu.memory_space<semaphore_mem>>)
      } else {
      }
      %dma_wait3A_983 = arith.constant 7 : i32
      %dma_wait3A_984 = arith.constant 0 : i32
      %dma_wait3A_985 = arith.constant 0 : i32
      %dma_wait3A_986 = tpu.memref_slice %arg7[%dma_wait3A_983, %dma_wait3A_984, %dma_wait3A_985] : memref<8x64x128xf32, #tpu.memory_space<vmem>> -> memref<1x64x128xf32, #tpu.memory_space<vmem>>
      %dma_wait3A_987 = tpu.memref_squeeze %dma_wait3A_986 : memref<1x64x128xf32, #tpu.memory_space<vmem>> -> memref<64x128xf32, #tpu.memory_space<vmem>>
      %dma_wait3A_988 = arith.constant 0 : i32
      %dma_wait3A_989 = arith.constant 0 : i32
      %dma_wait3A_990 = tpu.memref_slice %arg3[%dma_wait3A_988, %dma_wait3A_989] : memref<64x1000000xf32, #tpu.memory_space<hbm>> -> memref<64x128xf32, #tpu.memory_space<hbm>>
      %dma_wait3A_991 = arith.constant 0 : i32
      %dma_wait3A_992 = arith.constant 0 : i32
      %dma_wait3A_993 = tpu.memref_slice %arg7[%dma_wait3A_983, %dma_wait3A_991, %dma_wait3A_992] : memref<8x64x128xf32, #tpu.memory_space<vmem>> -> memref<1x64x128xf32, #tpu.memory_space<vmem>>
      %dma_wait3A_994 = tpu.memref_squeeze %dma_wait3A_993 : memref<1x64x128xf32, #tpu.memory_space<vmem>> -> memref<64x128xf32, #tpu.memory_space<vmem>>
      %dma_wait3A_995 = arith.constant 0 : i32
      %dma_wait3A_996 = arith.constant 0 : i32
      %dma_wait3A_997 = tpu.memref_slice %arg3[%dma_wait3A_995, %dma_wait3A_996] : memref<64x1000000xf32, #tpu.memory_space<hbm>> -> memref<64x128xf32, #tpu.memory_space<hbm>>
      tpu.wait_dma2 semaphore(%arg16 : memref<!tpu.dma_semaphore, #tpu.memory_space<semaphore_mem>>) src(%dma_wait3A_997 : memref<64x128xf32, #tpu.memory_space<hbm>>) dst(%dma_wait3A_994 : memref<64x128xf32, #tpu.memory_space<vmem>>)
      %slice3A_998 = vector.extract_strided_slice %get3A_170 {offsets = [15], sizes = [1], strides = [1]} : vector<16xi32> to vector<1xi32>
      %squeeze3A_999 = vector.extract %slice3A_998[0] : i32 from vector<1xi32>
      %and3A_1000 = arith.constant 127 : i32
      %and3A_1001 = arith.andi %squeeze3A_999, %and3A_1000 : i32
      %broadcast_in_dim3A_1002 = vector.broadcast %and3A_1001 : i32 to vector<16xi32>
      %broadcast_in_dim3A_1003 = arith.constant 7 : i32
      %broadcast_in_dim3A_1004 = vector.broadcast %broadcast_in_dim3A_1003 : i32 to vector<16xi32>
      %add3A_1005 = arith.constant 15 : i32
      %add3A_1006 = arith.addi %multiple_of3A_168, %add3A_1005 : i32
      %broadcast_in_dim3A_1007 = vector.broadcast %add3A_1006 : i32 to vector<16xi32>
      %add3A_1008 = arith.constant 0 : i32
      %add3A_1009 = vector.broadcast %add3A_1008 : i32 to vector<16xi32>
      %add3A_1010 = arith.addi %add3A_1009, %iota3A : vector<16xi32>
      %gather3A_1011 = tpu.vector_load_idx %arg7[%broadcast_in_dim3A_1004, %add3A_1010, %broadcast_in_dim3A_1002] : memref<8x64x128xf32, #tpu.memory_space<vmem>>[vector<16xi32>, vector<16xi32>, vector<16xi32>], vector<16xf32>,
      tpu.vector_store_idx %arg8[%add3A_1010, %broadcast_in_dim3A_1007], %gather3A_1011 {add = true} : memref<64x512xf32, #tpu.memory_space<vmem>>[vector<16xi32>, vector<16xi32>], vector<16xf32>,
      %add3A_1012 = arith.constant 16 : i32
      %add3A_1013 = vector.broadcast %add3A_1012 : i32 to vector<16xi32>
      %add3A_1014 = arith.addi %add3A_1013, %iota3A : vector<16xi32>
      %gather3A_1015 = tpu.vector_load_idx %arg7[%broadcast_in_dim3A_1004, %add3A_1014, %broadcast_in_dim3A_1002] : memref<8x64x128xf32, #tpu.memory_space<vmem>>[vector<16xi32>, vector<16xi32>, vector<16xi32>], vector<16xf32>,
      tpu.vector_store_idx %arg8[%add3A_1014, %broadcast_in_dim3A_1007], %gather3A_1015 {add = true} : memref<64x512xf32, #tpu.memory_space<vmem>>[vector<16xi32>, vector<16xi32>], vector<16xf32>,
      %add3A_1016 = arith.constant 32 : i32
      %add3A_1017 = vector.broadcast %add3A_1016 : i32 to vector<16xi32>
      %add3A_1018 = arith.addi %add3A_1017, %iota3A : vector<16xi32>
      %gather3A_1019 = tpu.vector_load_idx %arg7[%broadcast_in_dim3A_1004, %add3A_1018, %broadcast_in_dim3A_1002] : memref<8x64x128xf32, #tpu.memory_space<vmem>>[vector<16xi32>, vector<16xi32>, vector<16xi32>], vector<16xf32>,
      tpu.vector_store_idx %arg8[%add3A_1018, %broadcast_in_dim3A_1007], %gather3A_1019 {add = true} : memref<64x512xf32, #tpu.memory_space<vmem>>[vector<16xi32>, vector<16xi32>], vector<16xf32>,
      %add3A_1020 = arith.constant 48 : i32
      %add3A_1021 = vector.broadcast %add3A_1020 : i32 to vector<16xi32>
      %add3A_1022 = arith.addi %add3A_1021, %iota3A : vector<16xi32>
      %gather3A_1023 = tpu.vector_load_idx %arg7[%broadcast_in_dim3A_1004, %add3A_1022, %broadcast_in_dim3A_1002] : memref<8x64x128xf32, #tpu.memory_space<vmem>>[vector<16xi32>, vector<16xi32>, vector<16xi32>], vector<16xf32>,
      tpu.vector_store_idx %arg8[%add3A_1022, %broadcast_in_dim3A_1007], %gather3A_1023 {add = true} : memref<64x512xf32, #tpu.memory_space<vmem>>[vector<16xi32>, vector<16xi32>], vector<16xf32>,
      %not3A_1024 = arith.constant true
      %not3A_1025 = arith.xori %eq3A_179, %not3A_1024 : i1
      %convert_element_type3A_1026 = arith.extui %not3A_1025 : i1 to i32
      %cond3A_1027 = arith.constant 0 : i32
      %cond3A_1028 = arith.cmpi ne, %convert_element_type3A_1026, %cond3A_1027 : i32
      scf.if %cond3A_1028 {
        %slice3A_1029 = vector.extract_strided_slice %get3A_178 {offsets = [7], sizes = [1], strides = [1]} : vector<16xi32> to vector<1xi32>
        %squeeze3A_1030 = vector.extract %slice3A_1029[0] : i32 from vector<1xi32>
        %shift_right_arithmetic3A_1031 = arith.constant 7 : i32
        %shift_right_arithmetic3A_1032 = arith.shrsi %squeeze3A_1030, %shift_right_arithmetic3A_1031 : i32
        %mul3A_1033 = arith.constant 128 : i32
        %mul3A_1034 = arith.muli %shift_right_arithmetic3A_1032, %mul3A_1033 : i32
        %multiple_of3A_1035 = tpu.assume_multiple %mul3A_1034, 128 : i32
        %dma_start3A_1036 = arith.constant 7 : i32
        %dma_start3A_1037 = arith.constant 0 : i32
        %dma_start3A_1038 = arith.constant 0 : i32
        %dma_start3A_1039 = tpu.memref_slice %arg7[%dma_start3A_1036, %dma_start3A_1037, %dma_start3A_1038] : memref<8x64x128xf32, #tpu.memory_space<vmem>> -> memref<1x64x128xf32, #tpu.memory_space<vmem>>
        %dma_start3A_1040 = tpu.memref_squeeze %dma_start3A_1039 : memref<1x64x128xf32, #tpu.memory_space<vmem>> -> memref<64x128xf32, #tpu.memory_space<vmem>>
        %dma_start3A_1041 = arith.constant 0 : i32
        %dma_start3A_1042 = tpu.memref_slice %arg3[%dma_start3A_1041, %multiple_of3A_1035] : memref<64x1000000xf32, #tpu.memory_space<hbm>> -> memref<64x128xf32, #tpu.memory_space<hbm>>
        %dma_start3A_1043 = arith.constant 0 : i32
        %dma_start3A_1044 = arith.constant 0 : i32
        %dma_start3A_1045 = tpu.memref_slice %arg7[%dma_start3A_1036, %dma_start3A_1043, %dma_start3A_1044] : memref<8x64x128xf32, #tpu.memory_space<vmem>> -> memref<1x64x128xf32, #tpu.memory_space<vmem>>
        %dma_start3A_1046 = tpu.memref_squeeze %dma_start3A_1045 : memref<1x64x128xf32, #tpu.memory_space<vmem>> -> memref<64x128xf32, #tpu.memory_space<vmem>>
        %dma_start3A_1047 = arith.constant 0 : i32
        %dma_start3A_1048 = tpu.memref_slice %arg3[%dma_start3A_1047, %multiple_of3A_1035] : memref<64x1000000xf32, #tpu.memory_space<hbm>> -> memref<64x128xf32, #tpu.memory_space<hbm>>
        tpu.enqueue_dma source(%dma_start3A_1048 : memref<64x128xf32, #tpu.memory_space<hbm>>) target(%dma_start3A_1046 : memref<64x128xf32, #tpu.memory_space<vmem>>) target_semaphore(%arg16 : memref<!tpu.dma_semaphore, #tpu.memory_space<semaphore_mem>>)
      } else {
      }
    }
    %scan3A_164 = arith.constant 32 : i32
    "tpu.region"() ({
      %run_scoped3A = tpu.sem_alloc : memref<!tpu.dma_semaphore, #tpu.memory_space<semaphore_mem>>
      %dma_start3A_165 = arith.constant 0 : i32
      %dma_start3A_166 = tpu.memref_slice %arg5[%dma_start3A_165, %multiple_of3A] : memref<64x16384xf32, #tpu.memory_space<hbm>> -> memref<64x512xf32, #tpu.memory_space<hbm>>
      %dma_start3A_167 = arith.constant 0 : i32
      %dma_start3A_168 = tpu.memref_slice %arg5[%dma_start3A_167, %multiple_of3A] : memref<64x16384xf32, #tpu.memory_space<hbm>> -> memref<64x512xf32, #tpu.memory_space<hbm>>
      tpu.enqueue_dma source(%arg8 : memref<64x512xf32, #tpu.memory_space<vmem>>) target(%dma_start3A_168 : memref<64x512xf32, #tpu.memory_space<hbm>>) target_semaphore(%run_scoped3A : memref<!tpu.dma_semaphore, #tpu.memory_space<semaphore_mem>>)
      %dma_wait3A = arith.constant 0 : i32
      %dma_wait3A_169 = tpu.memref_slice %arg5[%dma_wait3A, %multiple_of3A] : memref<64x16384xf32, #tpu.memory_space<hbm>> -> memref<64x512xf32, #tpu.memory_space<hbm>>
      %dma_wait3A_170 = arith.constant 0 : i32
      %dma_wait3A_171 = tpu.memref_slice %arg5[%dma_wait3A_170, %multiple_of3A] : memref<64x16384xf32, #tpu.memory_space<hbm>> -> memref<64x512xf32, #tpu.memory_space<hbm>>
      tpu.wait_dma2 semaphore(%run_scoped3A : memref<!tpu.dma_semaphore, #tpu.memory_space<semaphore_mem>>) src(%arg8 : memref<64x512xf32, #tpu.memory_space<vmem>>) dst(%dma_wait3A_171 : memref<64x512xf32, #tpu.memory_space<hbm>>)
      tpu.yield
    }) : () -> ()
    return
  }
}

</mosaic_0001>

<sc_bundles>
// kernel: kernel.3.cloned.1.call-start
scs
__scs_entry_jumppad:
0x0: {  	(pc) =	sbr.rel $0x88, $3  }
0x1: {  	(tag) =	ssettag $0x0;
	lr =	simm.s32 $0x1  }
0x2: {  	[smem:$0x3F9E] =	sst lr;
	_ =	strace $0xD0000000  }
0x3: {  	_ = 	snop  }
0x4: {  	_ = 	snop  }
0x5: {  	_ = 	snop  }
0x6: {  	_ = 	snop  }
0x7: {  	_ = 	snop  }
__scs_overlays_trampoline_lowered:
0x8: {  	[smem:$0x3FAD] =	sst s0  }
0x9: {  	[smem:$0x3FAE] =	sst s1  }
0xa: {  	[smem:$0x3FAF] =	sst s2  }
0xb: {  	[smem:$0x3FB0] =	sst s3  }
0xc: {  	[smem:$0x3FB1] =	sst s4  }
0xd: {  	[smem:$0x3FB2] =	sst s5  }
0xe: {  	[smem:$0x3FB3] =	sst s6  }
0xf: {  	[smem:$0x3FB4] =	sst s7  }
0x10: {  	[smem:$0x3FB5] =	sst s8  }
0x11: {  	[smem:$0x3FB6] =	sst s9;
	s0 =	simm.s32 @!p0 $0x0  }
0x12: {  	s1 =	sld [smem:$0x3F9C];
	s0 =	simm.s32 @p0 $0x1  }
0x13: {  	[smem:$0x3FB7] =	sst s0;
	s0 =	simm.s32 @!p1 $0x0  }
0x14: {  	s2 =	sld [smem:$0x3F9B];
	s0 =	simm.s32 @p1 $0x1  }
0x15: {  	[smem:$0x3FB8] =	sst s0;
	s0 =	simm.s32 @!p2 $0x0  }
0x16: {  	s3 =	sld [smem:$0x3FDB];
	s0 =	simm.s32 @p2 $0x1  }
0x17: {  	s4 =	simm.s32 $0x1BF5;
	[smem:$0x3FBA] =	sst s0  }
0x18: {  	s0 =	sld [smem:$0x3F9D];
	_ =	swait.ge [sflag:s4], $0x0  }
0x19: {  	s7 =	sld [smem:$0x3F9E]  }
0x1a: {  	s8 =	sadd.s32 $0xFFFFE003, lr  }
0x1b: {  	s9 =	sadd.s32 $0xFFFFFEF7, lr;
	s5 =	simm.s32 $0xFFFFFFFF;
	p2 =	slt.u32 s8, $0xFFFFF086  }
0x1c: {  	p1 =	slt.u32 s9, $0xF7A;
	s5 =	simm.s32 @!p2 $0x0  }
0x1d: {  	s5 =	simm.s32 @p1 $0x1;
	p0 =	seq.s32 s7, s2  }
0x1e: {  	s7 =	smul.u32 @!p0 $0xF7A, s2;
	p2 =	seq.s32 @!p0 s5, $0x0  }
0x1f: {  	s9 =	smul.u32 $0xF7A, s1;
	s8 =	simm.s32 @!p0 $0x1BF5;
	p2 =	por !p2, p0  }
0x20: {  	[sflag:s8] =	ssyncset.s32 @!p0 $0xFFFFF086;
	s6 =	sadd.s32 @!p0 s3, s7;
	s7 =	simm.s32 @!p0 $0x108  }
0x21: {  	s3 =	sadd.s32 s3, s9;
	s6 =	sadd.s32 @!p0 $0x88, s6;
	s7 =	simm.s32 @p2 $0x1082  }
0x22: {  	[simem:s7], [sflag:s8] =	dma.local @!p0 [hbm:s6], $0xF7A  }
0x23: {  	s9 =	sor.u32 $0xD0000000, s2;
	s6 =	simm.s32 $0x108;
	_ =	swait.ge @!p0 [sflag:s8], $0x0  }
0x24: {  	s3 =	sadd.s32 $0x88, s3;
	s6 =	simm.s32 @!p1 $0x1082;
	[sflag:s4] =	ssyncset.s32 $0xFFFFF086  }
0x25: {  	[simem:s6], [sflag:s4] =	dma.local [hbm:s3], $0xF7A  }
0x26: {  	[smem:$0x3F9E] =	sst s1;
	(tag) =	ssettag s2;
	_ =	strace s9  }
0x27: {  	s1 =	sld [smem:$0x3FAE]  }
0x28: {  	s2 =	sld [smem:$0x3FAF]  }
0x29: {  	s4 =	sld [smem:$0x3FB1]  }
0x2a: {  	p0 =	seq.s32 s5, $0x0;
	s5 =	sld [smem:$0x3FB2]  }
0x2b: {  	s6 =	sld [smem:$0x3FB3]  }
0x2c: {  	s7 =	sld [smem:$0x3FB4]  }
0x2d: {  	s3 =	simm.s32 $0x108;
	s8 =	sld [smem:$0x3FB5]  }
0x2e: {  	s3 =	simm.s32 @!p0 $0x1082;
	s9 =	sld [smem:$0x3FB6]  }
0x2f: {  	lr =	sadd.s32 s0, s3;
	s0 =	sld [smem:$0x3FAD]  }
0x30: {  	s3 =	sld [smem:$0x3FB0]  }
0x31: {  	[smem:$0x3FB9] =	sst s10  }
0x32: {  	s10 =	sld [smem:$0x3FB7];
	_ =	sdelay $0x3  }
0x33: {  	p0 =	seq.s32 s10, $0x1;
	s10 =	sld [smem:$0x3FB9];
	_ =	sdelay $0x3  }
0x34: {  	[smem:$0x3FB9] =	sst s10  }
0x35: {  	s10 =	sld [smem:$0x3FB8];
	_ =	sdelay $0x3  }
0x36: {  	p1 =	seq.s32 s10, $0x1;
	s10 =	sld [smem:$0x3FB9];
	_ =	sdelay $0x3  }
0x37: {  	[smem:$0x3FB9] =	sst s10  }
0x38: {  	s10 =	sld [smem:$0x3FBA]  }
0x39: {  	_ = 	snop;
	(pc) =	sbr.ind lr, $3  }
0x3a: {  	_ = 	snop  }
0x3b: {  	_ = 	snop  }
0x3c: {  	p2 =	seq.s32 s10, $0x1;
	s10 =	sld [smem:$0x3FB9]  }
0x3d: {  	_ =	shalt  }
0x3e: {  	_ =	shalt  }
0x3f: {  	_ =	shalt  }
0x40: {  	_ =	shalt  }
0x41: {  	_ =	shalt  }
0x42: {  	_ =	shalt  }
0x43: {  	_ =	shalt  }
0x44: {  	_ =	shalt  }
0x45: {  	_ =	shalt  }
0x46: {  	_ =	shalt  }
0x47: {  	_ =	shalt  }
0x48: {  	_ =	shalt  }
0x49: {  	_ =	shalt  }
0x4a: {  	_ =	shalt  }
0x4b: {  	_ =	shalt  }
0x4c: {  	_ =	shalt  }
0x4d: {  	_ =	shalt  }
0x4e: {  	_ =	shalt  }
0x4f: {  	_ =	shalt  }
0x50: {  	_ =	shalt  }
0x51: {  	_ =	shalt  }
0x52: {  	_ =	shalt  }
0x53: {  	_ =	shalt  }
0x54: {  	_ =	shalt  }
0x55: {  	_ =	shalt  }
0x56: {  	_ =	shalt  }
0x57: {  	_ =	shalt  }
0x58: {  	_ =	shalt  }
0x59: {  	_ =	shalt  }
0x5a: {  	_ =	shalt  }
0x5b: {  	_ =	shalt  }
0x5c: {  	_ =	shalt  }
0x5d: {  	_ =	shalt  }
0x5e: {  	_ =	shalt  }
0x5f: {  	_ =	shalt  }
0x60: {  	_ =	shalt  }
0x61: {  	_ =	shalt  }
0x62: {  	_ =	shalt  }
0x63: {  	_ =	shalt  }
0x64: {  	_ =	shalt  }
0x65: {  	_ =	shalt  }
0x66: {  	_ =	shalt  }
0x67: {  	_ =	shalt  }
0x68: {  	_ =	shalt  }
0x69: {  	_ =	shalt  }
0x6a: {  	_ =	shalt  }
0x6b: {  	_ =	shalt  }
0x6c: {  	_ =	shalt  }
0x6d: {  	_ =	shalt  }
0x6e: {  	_ =	shalt  }
0x6f: {  	_ =	shalt  }
0x70: {  	_ =	shalt  }
0x71: {  	_ =	shalt  }
0x72: {  	_ =	shalt  }
0x73: {  	_ =	shalt  }
0x74: {  	_ =	shalt  }
0x75: {  	_ =	shalt  }
0x76: {  	_ =	shalt  }
0x77: {  	_ =	shalt  }
0x78: {  	_ =	shalt  }
0x79: {  	_ =	shalt  }
0x7a: {  	_ =	shalt  }
0x7b: {  	_ =	shalt  }
0x7c: {  	_ =	shalt  }
0x7d: {  	_ =	shalt  }
0x7e: {  	_ =	shalt  }
0x7f: {  	_ =	shalt  }
0x80: {  	_ =	shalt  }
0x81: {  	_ =	shalt  }
0x82: {  	_ =	shalt  }
0x83: {  	_ =	shalt  }
0x84: {  	_ =	shalt  }
0x85: {  	_ =	shalt  }
0x86: {  	_ =	shalt  }
0x87: {  	_ =	shalt  }
.Lfunc_end0:
.L_simem_size_0:
called_computation_lowered:
.L_overlay_start_0:
0x88: {  	s2 =	sld [smem:$0x3FD9]  }
0x89: {  	s3 =	sld [smem:$0x3FFE];
	_ =	sdelay $0x1  }
0x8a: {  	s1 =	srdreg.scid  }
0x8b: {  	s0 =	sand.u32 $0x1, s1  }
0x8c: {  	s18 =	sshll.u32 s0, $0xA;
	s2 =	sadd.s32 s3, s2  }
0x8d: {  	s2 =	sadd.s32 s2, s18  }
0x8e: {  	[smem:$0x3FC5] =	sst s2  }
0x8f: {  	_ = 	snop  }
0x90: {  	s2 =	sld [smem:$0x3FC9]  }
0x91: {  	s19 =	sld [smem:$0x3FC8]  }
0x92: {  	s4 =	sld [smem:$0x3FC7]  }
0x93: {  	s5 =	sld [smem:$0x3FD0];
	(tm) =	ssettm $0x1  }
0x94: {  	s6 =	sld [smem:$0x3FFB];
	_ =	sdelay $0x3  }
0x95: {  	_ =	strace s6  }
0x96: {  	s6 =	sld [smem:$0x3FFC];
	_ =	sdelay $0x3  }
0x97: {  	_ =	strace s6  }
0x98: {  	s6 =	sld [smem:$0x3FFD];
	_ =	sdelay $0x3  }
0x99: {  	_ =	strace s6  }
0x9a: {  	_ =	strace $0x8FFFFFFF  }
0x9b: {  	s20 =	sld [smem:$0x3FDB];
	_ =	sdelay $0x1  }
0x9c: {  	s7 =	simm.s32 $_scs_section_size  }
0x9d: {  	s8 =	simm.s32 $_size__tile_overlayer_lowered;
	s9 =	simm.s32 $_tile_overlayer_lowered  }
0x9e: {  	s23 =	simm.s32 $0x1BFF;
	s22 =	sshll.u32 s9, $0x1;
	s6 =	sadd.s32 s7, s20  }
0x9f: {  	s10 =	simm.s32 $0x0;
	s21 =	sshll.u32 s8, $0x1;
	s8 =	sadd.s32 s22, s6  }
0xa0: {  	[timem:s10], [sflag:s23] =	dma.local [hbm:s8], s21  }
0xa1: {  	_ =	swait.ge [sflag:s23], s21  }
0xa2: {  	s7 =	ssub.s32 $0x0, s21;
	[sflag:s23] =	ssyncset.done $0x0  }
0xa3: {  	[sflag:s23] =	ssyncadd.s32 s7;
	_ =	sdelay $0x1  }
0xa4: {  	s24 =	simm.s32 $0x1B8B  }
0xa5: {  	_ =	swait.ge [sflag:s24], $0x1  }
0xa6: {  	[sflag:s24] =	ssyncset.done $0x0  }
0xa7: {  	s25 =	simm.s32 $0x1B8E;
	[sflag:s24] =	ssyncadd.s32 $0xFFFFFFFF  }
0xa8: {  	s26 =	simm.s32 $execute0_lowered;
	[smem:$0x3FD2] =	sst s25  }
0xa9: {  	s7 =	sshll.u32 s26, $0x1;
	_ =	strace $0x80000046;
	[dreg:$0x1] =	wrdreg $0xFFFFFFFF  }
0xaa: {  	s28 =	simm.s32 $_size_execute0_lowered;
	s6 =	sadd.s32 s6, s7;
	[dreg:$0x0] =	wrdreg $0x0  }
0xab: {  	s7 =	sshll.u32 s28, $0x1;
	[dreg:$0x2] =	wrdreg s6  }
0xac: {  	[dreg:$0x3] =	wrdreg s7  }
0xad: {  	[dreg:$0x4] =	wrdreg $0xC0  }
0xae: {  	_ =	task [dreg:s10], $0x5FFFF  }
0xaf: {  	[dreg:$0x1] =	wrdreg $0xFFFFFFFF  }
0xb0: {  	[dreg:$0x0] =	wrdreg $0x60  }
0xb1: {  	[dreg:$0x2] =	wrdreg s2  }
0xb2: {  	[dreg:$0x3] =	wrdreg s19  }
0xb3: {  	[dreg:$0x4] =	wrdreg s4  }
0xb4: {  	[dreg:$0x5] =	wrdreg s5  }
0xb5: {  	[dreg:$0x6] =	wrdreg $0x9  }
0xb6: {  	_ =	task.clear_ibuf [dreg:s10], $0x7FFFF;
	_ =	strace $0x90000046  }
0xb7: {  	s29 =	simm.s32 $0x9;
	_ =	strace $0x80000048  }
0xb8: {  	_ =	swait.ge [sflag:s29], $0x1  }
0xb9: {  	[sflag:s29] =	ssyncadd.s32 $0xFFFFFFFF  }
0xba: {  	_ =	strace $0x90000048  }
0xbb: {  	_ =	sfence  }
0xbc: {  	s30 =	sld [smem:$0x0];
	_ =	sdelay $0x2  }
0xbd: {  	s31 =	sshll.u32 s1, $0xD;
	s1 =	sshrl.u32 s1, $0x2  }
0xbe: {  	s3 =	sand.u32 $0x4000, s31;
	s1 =	sadd.s32 s1, s30  }
0xbf: {  	s0 =	sor.u32 s3, s0;
	s1 =	sshll.u32 s1, $0x11  }
0xc0: {  	s0 =	sor.u32 s1, s0  }
0xc1: {  	s0 =	sadd.s32 $0x8F2B, s0  }
0xc2: {  	[sflag:s0] =	ssyncadd.remote.s32 $0x1  }
0xc3: {  	_ =	sfence.sel $0xFFFF  }
0xc4: {  	[dreg:$0x0] =	wrdreg $0xFFFFFFFF;
	(pc) =	sbr.abs _section_cstart, $3  }
0xc5: {  	[dreg:$0x1] =	wrdreg $0xFFFFFFFF  }
0xc6: {  	_ =	task.clear_ibuf [dreg:s10], $0x2FFFF;
	_ =	strace $0x9FFFFFFF  }
0xc7: {  	(tm) =	ssettm $0x7FFFFFFF  }
tec
execute0_lowered:
.L_overlay_start_1:
0x0: {  	(tag) =	ssettag $0x1  }
0x1: {  	v0 =	vimm.s32 $0x1380  }
0x2: {  	vm14 =	vcmask $0x300;
	vm13 =	vcmask $0x704;
	vm12 =	vcmask $0xB08  }
0x3: {  	vm11 =	vcmask $0xF0C;
	vm10 =	vcmask $0x1310;
	vm9 =	vcmask $0x1714  }
0x4: {  	vm8 =	vcmask $0x1B18;
	vm7 =	vcmask $0x1F1C;
	vm6 =	vcmask $0x2320  }
0x5: {  	vm5 =	vcmask $0x2724;
	vm4 =	vcmask $0x2B28;
	vm3 =	vcmask $0x2F2C  }
0x6: {  	vm2 =	vcmask $0x3330;
	v1 =	vlaneseq.u32;
	vm1 =	vcmask $0x3734  }
0x7: {  	vm0 =	vcmask $0x3B38;
	v3 =	vimm.s32 $0x3380;
	v4 =	vimm.s32 $0x5380  }
0x8: {  	v5 =	vimm.s32 $0x7380;
	v0 =	vsel vm14, $0x0, v0;
	v3 =	vsel vm14, $0x2000, v3  }
0x9: {  	v4 =	vsel vm14, $0x4000, v4;
	v5 =	vsel vm14, $0x6000, v5;
	v0 =	vsel vm13, $0x80, v0  }
0xa: {  	v3 =	vsel vm13, $0x2080, v3;
	v4 =	vsel vm13, $0x4080, v4;
	v5 =	vsel vm13, $0x6080, v5  }
0xb: {  	v0 =	vsel vm12, $0x100, v0;
	v3 =	vsel vm12, $0x2100, v3;
	v4 =	vsel vm12, $0x4100, v4  }
0xc: {  	v5 =	vsel vm12, $0x6100, v5;
	v0 =	vsel vm11, $0x180, v0;
	v3 =	vsel vm11, $0x2180, v3  }
0xd: {  	v4 =	vsel vm11, $0x4180, v4;
	v5 =	vsel vm11, $0x6180, v5;
	v0 =	vsel vm10, $0x200, v0  }
0xe: {  	v3 =	vsel vm10, $0x2200, v3;
	v4 =	vsel vm10, $0x4200, v4;
	v5 =	vsel vm10, $0x6200, v5  }
0xf: {  	v0 =	vsel vm9, $0x280, v0;
	v3 =	vsel vm9, $0x2280, v3;
	v4 =	vsel vm9, $0x4280, v4  }
0x10: {  	v5 =	vsel vm9, $0x6280, v5;
	v0 =	vsel vm8, $0x300, v0;
	v3 =	vsel vm8, $0x2300, v3  }
0x11: {  	v4 =	vsel vm8, $0x4300, v4;
	v5 =	vsel vm8, $0x6300, v5;
	v0 =	vsel vm7, $0x380, v0  }
0x12: {  	v3 =	vsel vm7, $0x2380, v3;
	v4 =	vsel vm7, $0x4380, v4;
	v5 =	vsel vm7, $0x6380, v5  }
0x13: {  	v0 =	vsel vm6, $0x1000, v0;
	v3 =	vsel vm6, $0x3000, v3;
	v4 =	vsel vm6, $0x5000, v4  }
0x14: {  	v5 =	vsel vm6, $0x7000, v5;
	v0 =	vsel vm5, $0x1080, v0;
	v3 =	vsel vm5, $0x3080, v3  }
0x15: {  	s1 =	rddreg [dreg:$0x0];
	v4 =	vsel vm5, $0x5080, v4;
	v5 =	vsel vm5, $0x7080, v5;
	v0 =	vsel vm4, $0x1100, v0  }
0x16: {  	s0 =	rddreg [dreg:$0x1];
	v3 =	vsel vm4, $0x3100, v3;
	v4 =	vsel vm4, $0x5100, v4;
	v5 =	vsel vm4, $0x7100, v5  }
0x17: {  	s2 =	rddreg [dreg:$0x2];
	v0 =	vsel vm3, $0x1180, v0;
	v3 =	vsel vm3, $0x3180, v3;
	v4 =	vsel vm3, $0x5180, v4  }
0x18: {  	s3 =	srdreg.scid;
	s4 =	rddreg [dreg:$0x3];
	v5 =	vsel vm3, $0x7180, v5;
	v2 =	vsel vm2, $0x1200, v0;
	v0 =	vmul.u32 $0x80, v1  }
0x19: {  	s5 =	stileid.u32;
	s7 =	simm.s32 $0x0;
	s10 =	simm.s32 $0x7A1400;
	v3 =	vsel vm2, $0x3200, v3;
	v4 =	vsel vm2, $0x5200, v4;
	v7 =	vsel vm2, $0x7200, v5  }
0x1a: {  	s9 =	simm.s32 $0x400;
	s11 =	simm.s32 $0x200;
	s8 =	simm.s32 $0x6200;
	v1 =	vsel vm1, $0x1280, v2;
	v3 =	vsel vm1, $0x3280, v3;
	v6 =	vsel vm1, $0x5280, v4  }
0x1b: {  	s12 =	simm.s32 $0x8200;
	s16 =	simm.s32 $0xA200;
	s17 =	simm.s32 $0xC200;
	v7 =	vsel vm1, $0x7280, v7;
	v1 =	vsel vm0, $0x1300, v1;
	v2 =	vor.u32 $0x800, v0  }
0x1c: {  	s18 =	simm.s32 $0xE200;
	s21 =	simm.s32 $0x10200;
	s22 =	simm.s32 $0x1;
	v3 =	vsel vm0, $0x3300, v3;
	v4 =	vor.u32 $0x1000, v0;
	v5 =	vsel vm0, $0x5300, v6  }
0x1d: {  	s28 =	simm.s32 $0x6;
	s29 =	simm.s32 $0x7;
	s30 =	simm.s32 $0x8;
	v6 =	vor.u32 $0x1800, v0;
	v7 =	vsel vm0, $0x7300, v7;
	v8 =	vor.u32 $0x2000, v0  }
0x1e: {  	s3 =	sand.u32 $0x1, s3;
	s5 =	sshll.u32 s5, $0xA;
	[smem:$0x7FF] =	sst s7;
	v9 =	vor.u32 $0x2800, v0;
	v10 =	vor.u32 $0x3000, v0;
	v11 =	vor.u32 $0x3800, v0  }
0x1f: {  	s7 =	simm.s32 $0x4200;
	s6 =	sshll.u32 s3, $0x9;
	s3 =	ssub.s32 $0x2, s3;
	v12 =	vor.u32 $0x4000, v0;
	v13 =	vor.u32 $0x4800, v0;
	v14 =	vor.u32 $0x5000, v0  }
0x20: {  	_ =	strace $0x80000047;
	s5 =	sor.u32 s6, s5;
	s23 =	sshrl.u32 s3, $0x1;
	v15 =	vor.u32 $0x5800, v0;
	v16 =	vor.u32 $0x6000, v0;
	v17 =	vor.u32 $0x6800, v0  }
0x21: {  	s6 =	simm.s32 $0x2200;
	s24 =	sshrl.u32 s5, $0x3;
	s3 =	ssub.s32 s3, s23;
	v18 =	vor.u32 $0x7000, v0;
	v19 =	vor.u32 $0x7800, v0;
	v20 =	vor.u32 $0x8000, v0  }
0x22: {  	s25 =	sadd.s32 s2, s5;
	s26 =	sadd.s32 s4, s5;
	s4 =	simm.s32 $0x9;
	v21 =	vor.u32 $0x8800, v0;
	v22 =	vor.u32 $0x9000, v0;
	v23 =	vor.u32 $0x9800, v0  }
0x23: {  	s23 =	simm.s32 $0x2;
	s2 =	simm.s32 $0x0;
	[dreg:$0x6] =	wrdreg s25;
	v24 =	vor.u32 $0xA000, v0;
	v25 =	vor.u32 $0xA800, v0;
	v26 =	vor.u32 $0xB000, v0  }
0x24: {  	s1 =	sadd.s32 s1, s24;
	[dreg:$0x7] =	wrdreg s26;
	s31 =	smax.u32 s3, $0x1;
	v27 =	vor.u32 $0xB800, v0;
	v28 =	vor.u32 $0xC000, v0;
	v29 =	vor.u32 $0xC800, v0  }
0x25: {  	s3 =	simm.s32 $0x1000;
	s24 =	simm.s32 $0x3;
	[dreg:$0x5] =	wrdreg s1;
	v30 =	vor.u32 $0xD000, v0;
	v31 =	vor.u32 $0xD800, v0;
	v32 =	vor.u32 $0xE000, v0  }
0x26: {  	s25 =	simm.s32 $0x4;
	s26 =	simm.s32 $0x5;
	[dreg:$0x8] =	wrdreg s31;
	v33 =	vor.u32 $0xE800, v0;
	v34 =	vor.u32 $0xF000, v0;
	v35 =	vor.u32 $0xF800, v0  }
.LBB2_1:
0x27: {  	[dreg:$0x9] =	wrdreg s2  }
0x28: {  	s1 =	simm.s32 $0x0;
	s5 =	rddreg [dreg:$0x5]  }
0x29: {  	[tilespmem:s1], [sflag:$0x9] =	stream.linear.gather [hbm4b:s5+s1], $0x200, $0x38;
	[tilespmem:$0x18200] =	vst v63  }
0x2a: {  	_ =	swait.ge [sflag:s4], $0x200  }
0x2b: {  	[sflag:s4] =	ssyncset.done $0x0  }
0x2c: {  	[sflag:s4] =	ssyncadd.s32 $0xFFFFFE00  }
0x2d: {  	v36 =	vld [tilespmem:$0x0];
	_ =	sdelay $0x4  }
0x2e: {  	(v2sf) =	vpush v36, $0x0  }
0x2f: {  	(v2sf) =	vpush v36, $0x1;
	_ =	sdelay $0x1  }
0x30: {  	(v2sf) =	vpush v36, $0x2;
	_ =	sdelay $0x4  }
0x31: {  	(v2sf) =	vpush v36, $0x3  }
0x32: {  	(v2sf) =	vpush v36, $0x4;
	_ =	sdelay $0x5  }
0x33: {  	s13 =	spop (v2sf);
	(v2sf) =	vpush v36, $0x5  }
0x34: {  	s14 =	spop (v2sf);
	(v2sf) =	vpush v36, $0x6  }
0x35: {  	s1 =	sand.u32 $0xFFFFF80, s13  }
0x36: {  	s1 =	sadd.s32 s0, s1;
	s15 =	spop (v2sf)  }
0x37: {  	(v2sf) =	vpush v36, $0x7;
	[tilespmem:s11], [sflag:$0x1] =	stream.strided.gather [hbm4b:s1+s9], $0x2000, s10, s9, $0x38;
	[tilespmem:$0x18200] =	vst v63  }
0x38: {  	s1 =	sand.u32 $0xFFFFF80, s14  }
0x39: {  	s1 =	sadd.s32 s0, s1  }
0x3a: {  	[tilespmem:s6], [sflag:$0x2] =	stream.strided.gather [hbm4b:s1+s9], $0x2000, s10, s9, $0x38;
	[tilespmem:$0x18200] =	vst v63  }
0x3b: {  	s19 =	spop (v2sf);
	s1 =	sand.u32 $0xFFFFF80, s15  }
0x3c: {  	s20 =	sand.u32 $0xFFFFF80, s19;
	s31 =	spop (v2sf);
	s1 =	sadd.s32 s0, s1  }
0x3d: {  	[tilespmem:s7], [sflag:$0x3] =	stream.strided.gather [hbm4b:s1+s9], $0x2000, s10, s9, $0x38;
	[tilespmem:$0x18200] =	vst v63  }
0x3e: {  	s2 =	sand.u32 $0xFFFFF80, s31;
	s1 =	sadd.s32 s0, s20  }
0x3f: {  	[tilespmem:s8], [sflag:$0x4] =	stream.strided.gather [hbm4b:s1+s9], $0x2000, s10, s9, $0x38;
	[tilespmem:$0x18200] =	vst v63  }
0x40: {  	s1 =	sadd.s32 s0, s2  }
0x41: {  	[tilespmem:s12], [sflag:$0x5] =	stream.strided.gather [hbm4b:s1+s9], $0x2000, s10, s9, $0x38;
	[tilespmem:$0x18200] =	vst v63  }
0x42: {  	s5 =	spop (v2sf)  }
0x43: {  	s13 =	sand.u32 $0xFFFFF80, s5;
	s14 =	spop (v2sf)  }
0x44: {  	s1 =	sadd.s32 s0, s13;
	s15 =	sand.u32 $0xFFFFF80, s14  }
0x45: {  	[tilespmem:s16], [sflag:$0x6] =	stream.strided.gather [hbm4b:s1+s9], $0x2000, s10, s9, $0x38;
	[tilespmem:$0x18200] =	vst v63  }
0x46: {  	s19 =	spop (v2sf);
	s1 =	sadd.s32 s0, s15  }
0x47: {  	[tilespmem:s17], [sflag:$0x7] =	stream.strided.gather [hbm4b:s1+s9], $0x2000, s10, s9, $0x38;
	[tilespmem:$0x18200] =	vst v63  }
0x48: {  	s1 =	sand.u32 $0xFFFFF80, s19  }
0x49: {  	s1 =	sadd.s32 s0, s1  }
0x4a: {  	[tilespmem:s18], [sflag:$0x8] =	stream.strided.gather [hbm4b:s1+s9], $0x2000, s10, s9, $0x38;
	[tilespmem:$0x18200] =	vst v63  }
0x4b: {  	s31 =	simm.s32 $0x80000;
	s20 =	rddreg [dreg:$0x6]  }
0x4c: {  	[tilespmem:s21], [sflag:$0x9] =	stream.strided.gather [hbm4b:s20+s3], $0x8000, s31, s3, $0x38;
	[tilespmem:$0x18200] =	vst v63  }
0x4d: {  	_ =	swait.ge [sflag:s4], $0x8000  }
0x4e: {  	s1 =	simm.s32 $0xF;
	[sflag:s4] =	ssyncset.done $0x0  }
0x4f: {  	s3 =	simm.s32 $0x0;
	s20 =	simm.s32 $0x1;
	[sflag:s4] =	ssyncadd.s32 $0xFFFF8000  }
.LBB2_2:
0x50: {  	v37 =	vld [tilespmem:s3+$0x0];
	_ =	sdelay $0x1  }
0x51: {  	s2 =	smin.u32 s20, $0x1F  }
0x52: {  	s2 =	sshll.u32 s2, $0x4  }
0x53: {  	v36 =	vld [tilespmem:s2+$0x0];
	_ =	swait.ge [sflag:s22], $0x2000  }
0x54: {  	(v2sf) =	vpush v37, $0x0;
	_ =	sdelay $0xe  }
0x55: {  	s14 =	spop (v2sf)  }
0x56: {  	s2 =	sand.u32 $0x7F, s14  }
0x57: {  	s4 =	sadd.s32 $0xFFFFFFF1, s1;
	v38 =	vor.u32 s2, v0  }
0x58: {  	v39 =	vmov s4  }
0x59: {  	v40 =	vshll.u32 v39, $0x3  }
0x5a: {  	v39 =	vand.u32 $0x70, v39;
	[sflag:s22] =	ssyncset.done $0x0;
	v40 =	vand.u32 $0xC00, v40  }
0x5b: {  	[sflag:s22] =	ssyncadd.s32 $0xFFFFE000;
	v39 =	vor.u32 v39, v40  }
0x5c: {  	v40 =	vor.u32 v1, v39;
	v38 =	vld.idx.msk [tilespmem:v38+s11+$0x0], $0xffff  }
0x5d: {  	v41 =	vor.u32 s2, v2;
	_ =	sdelay $0x3  }
0x5e: {  	[tilespmem:v40+s21+$0x0] =	vst.idx.add.f32.msk $0xffff, v38  }
0x5f: {  	v59 =	vor.u32 v3, v39;
	(v2sf) =	vpush v37, $0x8;
	v38 =	vld.idx.msk [tilespmem:v41+s11+$0x0], $0xffff  }
0x60: {  	v60 =	vor.u32 s2, v4;
	_ =	sdelay $0x3  }
0x61: {  	[tilespmem:v59+s21+$0x0] =	vst.idx.add.f32.msk $0xffff, v38  }
0x62: {  	v61 =	vor.u32 v5, v39;
	v38 =	vld.idx.msk [tilespmem:v60+s11+$0x0], $0xffff  }
0x63: {  	v62 =	vor.u32 s2, v6;
	_ =	sdelay $0x3  }
0x64: {  	[tilespmem:v61+s21+$0x0] =	vst.idx.add.f32.msk $0xffff, v38  }
0x65: {  	v39 =	vor.u32 v7, v39;
	v38 =	vld.idx.msk [tilespmem:v62+s11+$0x0], $0xffff;
	_ =	sdelay $0x2  }
0x66: {  	s5 =	spop (v2sf)  }
0x67: {  	s15 =	sand.u32 $0xFFFFF80, s5  }
0x68: {  	s2 =	sadd.s32 s0, s15;
	[tilespmem:v39+s21+$0x0] =	vst.idx.add.f32.msk $0xffff, v38  }
0x69: {  	[tilespmem:s11], [sflag:$0x1] =	stream.strided.gather [hbm4b:s2+s9], $0x2000, s10, s9, $0x38;
	[tilespmem:$0x18200] =	vst v63  }
0x6a: {  	_ =	swait.ge [sflag:s23], $0x2000  }
0x6b: {  	(v2sf) =	vpush v37, $0x1;
	_ =	sdelay $0xe  }
0x6c: {  	s19 =	spop (v2sf)  }
0x6d: {  	s2 =	sand.u32 $0x7F, s19  }
0x6e: {  	s31 =	sadd.s32 $0xFFFFFFF2, s1;
	v63 =	vor.u32 s2, v8  }
0x6f: {  	v44 =	vmov s31  }
0x70: {  	v45 =	vshll.u32 v44, $0x3  }
0x71: {  	v40 =	vand.u32 $0xC00, v45;
	v39 =	vand.u32 $0x71, v44;
	[sflag:s23] =	ssyncset.done $0x0  }
0x72: {  	v39 =	vor.u32 v39, v40;
	[sflag:s23] =	ssyncadd.s32 $0xFFFFE000  }
0x73: {  	v40 =	vor.u32 v1, v39;
	v38 =	vld.idx.msk [tilespmem:v63+s11+$0x0], $0xffff  }
0x74: {  	v46 =	vor.u32 s2, v9;
	_ =	sdelay $0x3  }
0x75: {  	[tilespmem:v40+s21+$0x0] =	vst.idx.add.f32.msk $0xffff, v38  }
0x76: {  	v47 =	vor.u32 v3, v39;
	(v2sf) =	vpush v37, $0x9;
	v38 =	vld.idx.msk [tilespmem:v46+s11+$0x0], $0xffff  }
0x77: {  	v48 =	vor.u32 s2, v10;
	_ =	sdelay $0x3  }
0x78: {  	[tilespmem:v47+s21+$0x0] =	vst.idx.add.f32.msk $0xffff, v38  }
0x79: {  	v49 =	vor.u32 v5, v39;
	v38 =	vld.idx.msk [tilespmem:v48+s11+$0x0], $0xffff  }
0x7a: {  	v50 =	vor.u32 s2, v11;
	_ =	sdelay $0x3  }
0x7b: {  	[tilespmem:v49+s21+$0x0] =	vst.idx.add.f32.msk $0xffff, v38  }
0x7c: {  	v39 =	vor.u32 v7, v39;
	v38 =	vld.idx.msk [tilespmem:v50+s11+$0x0], $0xffff;
	_ =	sdelay $0x2  }
0x7d: {  	s31 =	spop (v2sf)  }
0x7e: {  	s4 =	sand.u32 $0xFFFFF80, s31  }
0x7f: {  	s2 =	sadd.s32 s0, s4;
	[tilespmem:v39+s21+$0x0] =	vst.idx.add.f32.msk $0xffff, v38  }
0x80: {  	[tilespmem:s6], [sflag:$0x2] =	stream.strided.gather [hbm4b:s2+s9], $0x2000, s10, s9, $0x38;
	[tilespmem:$0x18200] =	vst v63  }
0x81: {  	_ =	swait.ge [sflag:s24], $0x2000  }
0x82: {  	(v2sf) =	vpush v37, $0x2;
	_ =	sdelay $0xe  }
0x83: {  	s6 =	spop (v2sf)  }
0x84: {  	s2 =	sand.u32 $0x7F, s6  }
0x85: {  	s13 =	sadd.s32 $0xFFFFFFF3, s1;
	v51 =	vor.u32 s2, v12  }
0x86: {  	v52 =	vmov s13  }
0x87: {  	v53 =	vshll.u32 v52, $0x3  }
0x88: {  	v40 =	vand.u32 $0xC00, v53;
	v39 =	vand.u32 $0x72, v52;
	[sflag:s24] =	ssyncset.done $0x0  }
0x89: {  	v39 =	vor.u32 v39, v40;
	[sflag:s24] =	ssyncadd.s32 $0xFFFFE000  }
0x8a: {  	v40 =	vor.u32 v1, v39;
	v38 =	vld.idx.msk [tilespmem:v51+s11+$0x0], $0xffff  }
0x8b: {  	v54 =	vor.u32 s2, v13;
	_ =	sdelay $0x3  }
0x8c: {  	[tilespmem:v40+s21+$0x0] =	vst.idx.add.f32.msk $0xffff, v38  }
0x8d: {  	v55 =	vor.u32 v3, v39;
	(v2sf) =	vpush v37, $0xA;
	v38 =	vld.idx.msk [tilespmem:v54+s11+$0x0], $0xffff  }
0x8e: {  	v56 =	vor.u32 s2, v14;
	_ =	sdelay $0x3  }
0x8f: {  	[tilespmem:v55+s21+$0x0] =	vst.idx.add.f32.msk $0xffff, v38  }
0x90: {  	v57 =	vor.u32 v5, v39;
	v38 =	vld.idx.msk [tilespmem:v56+s11+$0x0], $0xffff  }
0x91: {  	v58 =	vor.u32 s2, v15;
	_ =	sdelay $0x3  }
0x92: {  	[tilespmem:v57+s21+$0x0] =	vst.idx.add.f32.msk $0xffff, v38  }
0x93: {  	v39 =	vor.u32 v7, v39;
	v38 =	vld.idx.msk [tilespmem:v58+s11+$0x0], $0xffff;
	_ =	sdelay $0x2  }
0x94: {  	s4 =	spop (v2sf)  }
0x95: {  	s14 =	sand.u32 $0xFFFFF80, s4  }
0x96: {  	s2 =	sadd.s32 s0, s14;
	[tilespmem:v39+s21+$0x0] =	vst.idx.add.f32.msk $0xffff, v38  }
0x97: {  	[tilespmem:s7], [sflag:$0x3] =	stream.strided.gather [hbm4b:s2+s9], $0x2000, s10, s9, $0x38;
	[tilespmem:$0x18200] =	vst v63  }
0x98: {  	_ =	swait.ge [sflag:s25], $0x2000  }
0x99: {  	(v2sf) =	vpush v37, $0x3;
	_ =	sdelay $0xe  }
0x9a: {  	s15 =	spop (v2sf)  }
0x9b: {  	s2 =	sand.u32 $0x7F, s15  }
0x9c: {  	s19 =	sadd.s32 $0xFFFFFFF4, s1;
	v59 =	vor.u32 s2, v16  }
0x9d: {  	v60 =	vmov s19  }
0x9e: {  	v61 =	vshll.u32 v60, $0x3  }
0x9f: {  	v40 =	vand.u32 $0xC00, v61;
	v39 =	vand.u32 $0x73, v60;
	[sflag:s25] =	ssyncset.done $0x0  }
0xa0: {  	v39 =	vor.u32 v39, v40;
	[sflag:s25] =	ssyncadd.s32 $0xFFFFE000  }
0xa1: {  	v40 =	vor.u32 v1, v39;
	v38 =	vld.idx.msk [tilespmem:v59+s11+$0x0], $0xffff  }
0xa2: {  	v62 =	vor.u32 s2, v17;
	_ =	sdelay $0x3  }
0xa3: {  	[tilespmem:v40+s21+$0x0] =	vst.idx.add.f32.msk $0xffff, v38  }
0xa4: {  	v63 =	vor.u32 v3, v39;
	(v2sf) =	vpush v37, $0xB;
	v38 =	vld.idx.msk [tilespmem:v62+s11+$0x0], $0xffff  }
0xa5: {  	v44 =	vor.u32 s2, v18;
	_ =	sdelay $0x3  }
0xa6: {  	[tilespmem:v63+s21+$0x0] =	vst.idx.add.f32.msk $0xffff, v38  }
0xa7: {  	v45 =	vor.u32 v5, v39;
	v38 =	vld.idx.msk [tilespmem:v44+s11+$0x0], $0xffff  }
0xa8: {  	v46 =	vor.u32 s2, v19;
	_ =	sdelay $0x3  }
0xa9: {  	[tilespmem:v45+s21+$0x0] =	vst.idx.add.f32.msk $0xffff, v38  }
0xaa: {  	v39 =	vor.u32 v7, v39;
	v38 =	vld.idx.msk [tilespmem:v46+s11+$0x0], $0xffff;
	_ =	sdelay $0x2  }
0xab: {  	s6 =	spop (v2sf)  }
0xac: {  	s7 =	sand.u32 $0xFFFFF80, s6  }
0xad: {  	s2 =	sadd.s32 s0, s7;
	[tilespmem:v39+s21+$0x0] =	vst.idx.add.f32.msk $0xffff, v38  }
0xae: {  	[tilespmem:s8], [sflag:$0x4] =	stream.strided.gather [hbm4b:s2+s9], $0x2000, s10, s9, $0x38;
	[tilespmem:$0x18200] =	vst v63  }
0xaf: {  	_ =	swait.ge [sflag:s26], $0x2000  }
0xb0: {  	(v2sf) =	vpush v37, $0x4;
	_ =	sdelay $0xe  }
0xb1: {  	s8 =	spop (v2sf)  }
0xb2: {  	s2 =	sand.u32 $0x7F, s8  }
0xb3: {  	s13 =	sadd.s32 $0xFFFFFFF5, s1;
	v47 =	vor.u32 s2, v20  }
0xb4: {  	v48 =	vmov s13  }
0xb5: {  	v49 =	vshll.u32 v48, $0x3  }
0xb6: {  	v40 =	vand.u32 $0xC00, v49;
	v39 =	vand.u32 $0x74, v48;
	[sflag:s26] =	ssyncset.done $0x0  }
0xb7: {  	v39 =	vor.u32 v39, v40;
	[sflag:s26] =	ssyncadd.s32 $0xFFFFE000  }
0xb8: {  	v40 =	vor.u32 v1, v39;
	v38 =	vld.idx.msk [tilespmem:v47+s11+$0x0], $0xffff  }
0xb9: {  	v50 =	vor.u32 s2, v21;
	_ =	sdelay $0x3  }
0xba: {  	[tilespmem:v40+s21+$0x0] =	vst.idx.add.f32.msk $0xffff, v38  }
0xbb: {  	v51 =	vor.u32 v3, v39;
	(v2sf) =	vpush v37, $0xC;
	v38 =	vld.idx.msk [tilespmem:v50+s11+$0x0], $0xffff  }
0xbc: {  	v52 =	vor.u32 s2, v22;
	_ =	sdelay $0x3  }
0xbd: {  	[tilespmem:v51+s21+$0x0] =	vst.idx.add.f32.msk $0xffff, v38  }
0xbe: {  	v53 =	vor.u32 v5, v39;
	v38 =	vld.idx.msk [tilespmem:v52+s11+$0x0], $0xffff  }
0xbf: {  	v54 =	vor.u32 s2, v23;
	_ =	sdelay $0x3  }
0xc0: {  	[tilespmem:v53+s21+$0x0] =	vst.idx.add.f32.msk $0xffff, v38  }
0xc1: {  	v39 =	vor.u32 v7, v39;
	v38 =	vld.idx.msk [tilespmem:v54+s11+$0x0], $0xffff;
	_ =	sdelay $0x2  }
0xc2: {  	s8 =	spop (v2sf)  }
0xc3: {  	s14 =	sand.u32 $0xFFFFF80, s8  }
0xc4: {  	s2 =	sadd.s32 s0, s14;
	[tilespmem:v39+s21+$0x0] =	vst.idx.add.f32.msk $0xffff, v38  }
0xc5: {  	[tilespmem:s12], [sflag:$0x5] =	stream.strided.gather [hbm4b:s2+s9], $0x2000, s10, s9, $0x38;
	[tilespmem:$0x18200] =	vst v63  }
0xc6: {  	_ =	swait.ge [sflag:s28], $0x2000  }
0xc7: {  	(v2sf) =	vpush v37, $0x5;
	_ =	sdelay $0xe  }
0xc8: {  	s15 =	spop (v2sf)  }
0xc9: {  	s2 =	sand.u32 $0x7F, s15  }
0xca: {  	s19 =	sadd.s32 $0xFFFFFFF6, s1;
	v55 =	vor.u32 s2, v24  }
0xcb: {  	v56 =	vmov s19  }
0xcc: {  	v57 =	vshll.u32 v56, $0x3  }
0xcd: {  	v40 =	vand.u32 $0xC00, v57;
	v39 =	vand.u32 $0x75, v56;
	[sflag:s28] =	ssyncset.done $0x0  }
0xce: {  	v39 =	vor.u32 v39, v40;
	[sflag:s28] =	ssyncadd.s32 $0xFFFFE000  }
0xcf: {  	v40 =	vor.u32 v1, v39;
	v38 =	vld.idx.msk [tilespmem:v55+s11+$0x0], $0xffff  }
0xd0: {  	v58 =	vor.u32 s2, v25;
	_ =	sdelay $0x3  }
0xd1: {  	[tilespmem:v40+s21+$0x0] =	vst.idx.add.f32.msk $0xffff, v38  }
0xd2: {  	v59 =	vor.u32 v3, v39;
	(v2sf) =	vpush v37, $0xD;
	v38 =	vld.idx.msk [tilespmem:v58+s11+$0x0], $0xffff  }
0xd3: {  	v60 =	vor.u32 s2, v26;
	_ =	sdelay $0x3  }
0xd4: {  	[tilespmem:v59+s21+$0x0] =	vst.idx.add.f32.msk $0xffff, v38  }
0xd5: {  	v61 =	vor.u32 v5, v39;
	v38 =	vld.idx.msk [tilespmem:v60+s11+$0x0], $0xffff  }
0xd6: {  	v62 =	vor.u32 s2, v27;
	_ =	sdelay $0x3  }
0xd7: {  	[tilespmem:v61+s21+$0x0] =	vst.idx.add.f32.msk $0xffff, v38  }
0xd8: {  	v39 =	vor.u32 v7, v39;
	v38 =	vld.idx.msk [tilespmem:v62+s11+$0x0], $0xffff;
	_ =	sdelay $0x2  }
0xd9: {  	s19 =	spop (v2sf)  }
0xda: {  	s12 =	sand.u32 $0xFFFFF80, s19  }
0xdb: {  	s2 =	sadd.s32 s0, s12;
	[tilespmem:v39+s21+$0x0] =	vst.idx.add.f32.msk $0xffff, v38  }
0xdc: {  	[tilespmem:s16], [sflag:$0x6] =	stream.strided.gather [hbm4b:s2+s9], $0x2000, s10, s9, $0x38;
	[tilespmem:$0x18200] =	vst v63  }
0xdd: {  	_ =	swait.ge [sflag:s29], $0x2000  }
0xde: {  	(v2sf) =	vpush v37, $0x6;
	_ =	sdelay $0xe  }
0xdf: {  	s13 =	spop (v2sf)  }
0xe0: {  	s2 =	sand.u32 $0x7F, s13  }
0xe1: {  	s14 =	sadd.s32 $0xFFFFFFF7, s1;
	v63 =	vor.u32 s2, v28  }
0xe2: {  	v44 =	vmov s14  }
0xe3: {  	v45 =	vshll.u32 v44, $0x3  }
0xe4: {  	v40 =	vand.u32 $0xC00, v45;
	v39 =	vand.u32 $0x76, v44;
	[sflag:s29] =	ssyncset.done $0x0  }
0xe5: {  	v39 =	vor.u32 v39, v40;
	[sflag:s29] =	ssyncadd.s32 $0xFFFFE000  }
0xe6: {  	v40 =	vor.u32 v1, v39;
	v38 =	vld.idx.msk [tilespmem:v63+s11+$0x0], $0xffff  }
0xe7: {  	v46 =	vor.u32 s2, v29;
	_ =	sdelay $0x3  }
0xe8: {  	[tilespmem:v40+s21+$0x0] =	vst.idx.add.f32.msk $0xffff, v38  }
0xe9: {  	v47 =	vor.u32 v3, v39;
	(v2sf) =	vpush v37, $0xE;
	v38 =	vld.idx.msk [tilespmem:v46+s11+$0x0], $0xffff  }
0xea: {  	v48 =	vor.u32 s2, v30;
	_ =	sdelay $0x3  }
0xeb: {  	[tilespmem:v47+s21+$0x0] =	vst.idx.add.f32.msk $0xffff, v38  }
0xec: {  	v49 =	vor.u32 v5, v39;
	v38 =	vld.idx.msk [tilespmem:v48+s11+$0x0], $0xffff  }
0xed: {  	v50 =	vor.u32 s2, v31;
	_ =	sdelay $0x3  }
0xee: {  	[tilespmem:v49+s21+$0x0] =	vst.idx.add.f32.msk $0xffff, v38  }
0xef: {  	v39 =	vor.u32 v7, v39;
	v38 =	vld.idx.msk [tilespmem:v50+s11+$0x0], $0xffff;
	_ =	sdelay $0x2  }
0xf0: {  	s7 =	spop (v2sf)  }
0xf1: {  	s15 =	sand.u32 $0xFFFFF80, s7  }
0xf2: {  	s2 =	sadd.s32 s0, s15;
	[tilespmem:v39+s21+$0x0] =	vst.idx.add.f32.msk $0xffff, v38  }
0xf3: {  	[tilespmem:s17], [sflag:$0x7] =	stream.strided.gather [hbm4b:s2+s9], $0x2000, s10, s9, $0x38;
	[tilespmem:$0x18200] =	vst v63  }
0xf4: {  	_ =	swait.ge [sflag:s30], $0x2000  }
0xf5: {  	(v2sf) =	vpush v37, $0x7;
	_ =	sdelay $0xe  }
0xf6: {  	s12 =	spop (v2sf)  }
0xf7: {  	s2 =	sand.u32 $0x7F, s12  }
0xf8: {  	s13 =	sadd.s32 $0xFFFFFFF8, s1;
	v51 =	vor.u32 s2, v32  }
0xf9: {  	v52 =	vmov s13  }
0xfa: {  	v53 =	vshll.u32 v52, $0x3  }
0xfb: {  	v40 =	vand.u32 $0xC00, v53;
	v39 =	vand.u32 $0x77, v52;
	[sflag:s30] =	ssyncset.done $0x0  }
0xfc: {  	v39 =	vor.u32 v39, v40;
	[sflag:s30] =	ssyncadd.s32 $0xFFFFE000  }
0xfd: {  	v40 =	vor.u32 v1, v39;
	v38 =	vld.idx.msk [tilespmem:v51+s11+$0x0], $0xffff  }
0xfe: {  	v54 =	vor.u32 s2, v33;
	_ =	sdelay $0x3  }
0xff: {  	[tilespmem:v40+s21+$0x0] =	vst.idx.add.f32.msk $0xffff, v38  }
0x100: {  	v55 =	vor.u32 v3, v39;
	(v2sf) =	vpush v37, $0xF;
	v38 =	vld.idx.msk [tilespmem:v54+s11+$0x0], $0xffff  }
0x101: {  	v56 =	vor.u32 s2, v34;
	_ =	sdelay $0x3  }
0x102: {  	[tilespmem:v55+s21+$0x0] =	vst.idx.add.f32.msk $0xffff, v38  }
0x103: {  	v57 =	vor.u32 v5, v39;
	v37 =	vld.idx.msk [tilespmem:v56+s11+$0x0], $0xffff  }
0x104: {  	v58 =	vor.u32 s2, v35;
	_ =	sdelay $0x3  }
0x105: {  	[tilespmem:v57+s21+$0x0] =	vst.idx.add.f32.msk $0xffff, v37  }
0x106: {  	v59 =	vor.u32 v7, v39;
	v37 =	vld.idx.msk [tilespmem:v58+s11+$0x0], $0xffff;
	_ =	sdelay $0x2  }
0x107: {  	s2 =	spop (v2sf)  }
0x108: {  	s5 =	sand.u32 $0x7F, s5;
	s14 =	sand.u32 $0xFFFFF80, s2  }
0x109: {  	v60 =	vor.u32 s5, v0;
	s13 =	sadd.s32 $0xFFFFFFF9, s1;
	s12 =	sadd.s32 s0, s14;
	[tilespmem:v59+s21+$0x0] =	vst.idx.add.f32.msk $0xffff, v37  }
0x10a: {  	v61 =	vmov s13;
	[tilespmem:s18], [sflag:$0x8] =	stream.strided.gather [hbm4b:s12+s9], $0x2000, s10, s9, $0x38;
	[tilespmem:$0x18200] =	vst v63  }
0x10b: {  	v62 =	vshll.u32 v61, $0x3;
	_ =	swait.ge [sflag:s22], $0x2000  }
0x10c: {  	v39 =	vand.u32 $0xC00, v62;
	v38 =	vand.u32 $0x78, v61;
	[sflag:s22] =	ssyncset.done $0x0  }
0x10d: {  	v38 =	vor.u32 v38, v39;
	[sflag:s22] =	ssyncadd.s32 $0xFFFFE000  }
0x10e: {  	v39 =	vor.u32 v1, v38;
	v37 =	vld.idx.msk [tilespmem:v60+s11+$0x0], $0xffff  }
0x10f: {  	v63 =	vor.u32 s5, v2;
	_ =	sdelay $0x3  }
0x110: {  	p0 =	seq.s32 s1, $0x1FF;
	[tilespmem:v39+s21+$0x0] =	vst.idx.add.f32.msk $0xffff, v37  }
0x111: {  	v44 =	vor.u32 v3, v38;
	(v2sf) =	vpush @!p0 v36, $0x0;
	v37 =	vld.idx.msk [tilespmem:v63+s11+$0x0], $0xffff  }
0x112: {  	v45 =	vor.u32 s5, v4;
	_ =	sdelay $0x3  }
0x113: {  	[tilespmem:v44+s21+$0x0] =	vst.idx.add.f32.msk $0xffff, v37  }
0x114: {  	v46 =	vor.u32 v5, v38;
	v37 =	vld.idx.msk [tilespmem:v45+s11+$0x0], $0xffff  }
0x115: {  	v47 =	vor.u32 s5, v6;
	_ =	sdelay $0x3  }
0x116: {  	[tilespmem:v46+s21+$0x0] =	vst.idx.add.f32.msk $0xffff, v37  }
0x117: {  	v38 =	vor.u32 v7, v38;
	v37 =	vld.idx.msk [tilespmem:v47+s11+$0x0], $0xffff;
	_ =	sdelay $0x2  }
0x118: {  	s13 =	sand.u32 $0x7F, s31;
	s31 =	simm.s32 @!p0 $0x7A1400;
	s5 =	spop @!p0 (v2sf)  }
0x119: {  	s15 =	sadd.s32 $0xFFFFFFFA, s1;
	s5 =	sand.u32 @!p0 $0xFFFFF80, s5  }
0x11a: {  	v48 =	vor.u32 s13, v8;
	s14 =	simm.s32 @!p0 $0x200;
	s12 =	sadd.s32 @!p0 s0, s5;
	s5 =	simm.s32 @!p0 $0x400;
	[tilespmem:v38+s21+$0x0] =	vst.idx.add.f32.msk $0xffff, v37  }
0x11b: {  	v49 =	vmov s15;
	[tilespmem:s14], [sflag:$0x1] =	stream.strided.gather @!p0 [hbm4b:s12+s5], $0x2000, s31, s5, $0x38;
	[tilespmem:$0x18200] =	vst v63  }
0x11c: {  	v50 =	vshll.u32 v49, $0x3;
	_ =	swait.ge [sflag:s23], $0x2000  }
0x11d: {  	v39 =	vand.u32 $0xC00, v50;
	v38 =	vand.u32 $0x79, v49;
	[sflag:s23] =	ssyncset.done $0x0  }
0x11e: {  	v38 =	vor.u32 v38, v39;
	[sflag:s23] =	ssyncadd.s32 $0xFFFFE000  }
0x11f: {  	v39 =	vor.u32 v1, v38;
	v37 =	vld.idx.msk [tilespmem:v48+s11+$0x0], $0xffff  }
0x120: {  	v51 =	vor.u32 s13, v9;
	_ =	sdelay $0x3  }
0x121: {  	[tilespmem:v39+s21+$0x0] =	vst.idx.add.f32.msk $0xffff, v37  }
0x122: {  	v52 =	vor.u32 v3, v38;
	(v2sf) =	vpush @!p0 v36, $0x1;
	v37 =	vld.idx.msk [tilespmem:v51+s11+$0x0], $0xffff  }
0x123: {  	v53 =	vor.u32 s13, v10;
	_ =	sdelay $0x3  }
0x124: {  	[tilespmem:v52+s21+$0x0] =	vst.idx.add.f32.msk $0xffff, v37  }
0x125: {  	v54 =	vor.u32 v5, v38;
	v37 =	vld.idx.msk [tilespmem:v53+s11+$0x0], $0xffff  }
0x126: {  	v55 =	vor.u32 s13, v11;
	_ =	sdelay $0x3  }
0x127: {  	[tilespmem:v54+s21+$0x0] =	vst.idx.add.f32.msk $0xffff, v37  }
0x128: {  	v38 =	vor.u32 v7, v38;
	v37 =	vld.idx.msk [tilespmem:v55+s11+$0x0], $0xffff;
	_ =	sdelay $0x2  }
0x129: {  	s12 =	spop @!p0 (v2sf)  }
0x12a: {  	s4 =	sand.u32 $0x7F, s4;
	s12 =	sand.u32 @!p0 $0xFFFFF80, s12  }
0x12b: {  	s15 =	sadd.s32 $0xFFFFFFFB, s1;
	s13 =	simm.s32 @!p0 $0x2200;
	v56 =	vor.u32 s4, v12;
	s12 =	sadd.s32 @!p0 s0, s12;
	[tilespmem:v38+s21+$0x0] =	vst.idx.add.f32.msk $0xffff, v37  }
0x12c: {  	v57 =	vmov s15;
	[tilespmem:s13], [sflag:$0x2] =	stream.strided.gather @!p0 [hbm4b:s12+s5], $0x2000, s31, s5, $0x38;
	[tilespmem:$0x18200] =	vst v63  }
0x12d: {  	v58 =	vshll.u32 v57, $0x3;
	_ =	swait.ge [sflag:s24], $0x2000  }
0x12e: {  	v39 =	vand.u32 $0xC00, v58;
	v38 =	vand.u32 $0x7A, v57;
	[sflag:s24] =	ssyncset.done $0x0  }
0x12f: {  	v38 =	vor.u32 v38, v39;
	[sflag:s24] =	ssyncadd.s32 $0xFFFFE000  }
0x130: {  	v39 =	vor.u32 v1, v38;
	v37 =	vld.idx.msk [tilespmem:v56+s11+$0x0], $0xffff  }
0x131: {  	v59 =	vor.u32 s4, v13;
	_ =	sdelay $0x3  }
0x132: {  	[tilespmem:v39+s21+$0x0] =	vst.idx.add.f32.msk $0xffff, v37  }
0x133: {  	v60 =	vor.u32 v3, v38;
	(v2sf) =	vpush @!p0 v36, $0x2;
	v37 =	vld.idx.msk [tilespmem:v59+s11+$0x0], $0xffff  }
0x134: {  	v61 =	vor.u32 s4, v14;
	_ =	sdelay $0x3  }
0x135: {  	[tilespmem:v60+s21+$0x0] =	vst.idx.add.f32.msk $0xffff, v37  }
0x136: {  	v62 =	vor.u32 v5, v38;
	v37 =	vld.idx.msk [tilespmem:v61+s11+$0x0], $0xffff  }
0x137: {  	v63 =	vor.u32 s4, v15;
	_ =	sdelay $0x3  }
0x138: {  	[tilespmem:v62+s21+$0x0] =	vst.idx.add.f32.msk $0xffff, v37  }
0x139: {  	v38 =	vor.u32 v7, v38;
	v37 =	vld.idx.msk [tilespmem:v63+s11+$0x0], $0xffff;
	_ =	sdelay $0x2  }
0x13a: {  	s4 =	spop @!p0 (v2sf)  }
0x13b: {  	s6 =	sand.u32 $0x7F, s6;
	s4 =	sand.u32 @!p0 $0xFFFFF80, s4  }
0x13c: {  	v43 =	vor.u32 s6, v16;
	s15 =	sadd.s32 $0xFFFFFFFC, s1;
	s12 =	simm.s32 @!p0 $0x4200;
	s4 =	sadd.s32 @!p0 s0, s4;
	[tilespmem:v38+s21+$0x0] =	vst.idx.add.f32.msk $0xffff, v37  }
0x13d: {  	v44 =	vmov s15;
	[tilespmem:s12], [sflag:$0x3] =	stream.strided.gather @!p0 [hbm4b:s4+s5], $0x2000, s31, s5, $0x38;
	[tilespmem:$0x18200] =	vst v63  }
0x13e: {  	v45 =	vshll.u32 v44, $0x3;
	_ =	swait.ge [sflag:s25], $0x2000  }
0x13f: {  	v39 =	vand.u32 $0xC00, v45;
	v38 =	vand.u32 $0x7B, v44;
	[sflag:s25] =	ssyncset.done $0x0  }
0x140: {  	v38 =	vor.u32 v38, v39;
	[sflag:s25] =	ssyncadd.s32 $0xFFFFE000  }
0x141: {  	v39 =	vor.u32 v1, v38;
	v37 =	vld.idx.msk [tilespmem:v43+s11+$0x0], $0xffff  }
0x142: {  	v46 =	vor.u32 s6, v17;
	_ =	sdelay $0x3  }
0x143: {  	[tilespmem:v39+s21+$0x0] =	vst.idx.add.f32.msk $0xffff, v37  }
0x144: {  	v47 =	vor.u32 v3, v38;
	(v2sf) =	vpush @!p0 v36, $0x3;
	v37 =	vld.idx.msk [tilespmem:v46+s11+$0x0], $0xffff  }
0x145: {  	v48 =	vor.u32 s6, v18;
	_ =	sdelay $0x3  }
0x146: {  	[tilespmem:v47+s21+$0x0] =	vst.idx.add.f32.msk $0xffff, v37  }
0x147: {  	v49 =	vor.u32 v5, v38;
	v37 =	vld.idx.msk [tilespmem:v48+s11+$0x0], $0xffff  }
0x148: {  	v50 =	vor.u32 s6, v19;
	_ =	sdelay $0x3  }
0x149: {  	[tilespmem:v49+s21+$0x0] =	vst.idx.add.f32.msk $0xffff, v37  }
0x14a: {  	v38 =	vor.u32 v7, v38;
	v37 =	vld.idx.msk [tilespmem:v50+s11+$0x0], $0xffff;
	_ =	sdelay $0x2  }
0x14b: {  	s4 =	spop @!p0 (v2sf)  }
0x14c: {  	s14 =	sand.u32 $0x7F, s8;
	s4 =	sand.u32 @!p0 $0xFFFFF80, s4  }
0x14d: {  	s15 =	sadd.s32 $0xFFFFFFFD, s1;
	s8 =	simm.s32 @!p0 $0x6200;
	v51 =	vor.u32 s14, v20;
	s4 =	sadd.s32 @!p0 s0, s4;
	[tilespmem:v38+s21+$0x0] =	vst.idx.add.f32.msk $0xffff, v37  }
0x14e: {  	v52 =	vmov s15;
	[tilespmem:s8], [sflag:$0x4] =	stream.strided.gather @!p0 [hbm4b:s4+s5], $0x2000, s31, s5, $0x38;
	[tilespmem:$0x18200] =	vst v63  }
0x14f: {  	v53 =	vshll.u32 v52, $0x3;
	_ =	swait.ge [sflag:s26], $0x2000  }
0x150: {  	v39 =	vand.u32 $0xC00, v53;
	v38 =	vand.u32 $0x7C, v52;
	[sflag:s26] =	ssyncset.done $0x0  }
0x151: {  	v38 =	vor.u32 v38, v39;
	[sflag:s26] =	ssyncadd.s32 $0xFFFFE000  }
0x152: {  	v39 =	vor.u32 v1, v38;
	v37 =	vld.idx.msk [tilespmem:v51+s11+$0x0], $0xffff  }
0x153: {  	v54 =	vor.u32 s14, v21;
	_ =	sdelay $0x3  }
0x154: {  	[tilespmem:v39+s21+$0x0] =	vst.idx.add.f32.msk $0xffff, v37  }
0x155: {  	v55 =	vor.u32 v3, v38;
	(v2sf) =	vpush @!p0 v36, $0x4;
	v37 =	vld.idx.msk [tilespmem:v54+s11+$0x0], $0xffff  }
0x156: {  	v56 =	vor.u32 s14, v22;
	_ =	sdelay $0x3  }
0x157: {  	[tilespmem:v55+s21+$0x0] =	vst.idx.add.f32.msk $0xffff, v37  }
0x158: {  	v57 =	vor.u32 v5, v38;
	v37 =	vld.idx.msk [tilespmem:v56+s11+$0x0], $0xffff  }
0x159: {  	v58 =	vor.u32 s14, v23;
	_ =	sdelay $0x3  }
0x15a: {  	[tilespmem:v57+s21+$0x0] =	vst.idx.add.f32.msk $0xffff, v37  }
0x15b: {  	v38 =	vor.u32 v7, v38;
	v37 =	vld.idx.msk [tilespmem:v58+s11+$0x0], $0xffff;
	_ =	sdelay $0x2  }
0x15c: {  	s4 =	spop @!p0 (v2sf)  }
0x15d: {  	s13 =	sand.u32 $0x7F, s19;
	s4 =	sand.u32 @!p0 $0xFFFFF80, s4  }
0x15e: {  	s14 =	sadd.s32 $0xFFFFFFFE, s1;
	v59 =	vor.u32 s13, v24;
	s8 =	simm.s32 @!p0 $0x8200;
	s4 =	sadd.s32 @!p0 s0, s4;
	[tilespmem:v38+s21+$0x0] =	vst.idx.add.f32.msk $0xffff, v37  }
0x15f: {  	v60 =	vmov s14;
	[tilespmem:s8], [sflag:$0x5] =	stream.strided.gather @!p0 [hbm4b:s4+s5], $0x2000, s31, s5, $0x38;
	[tilespmem:$0x18200] =	vst v63  }
0x160: {  	v61 =	vshll.u32 v60, $0x3;
	_ =	swait.ge [sflag:s28], $0x2000  }
0x161: {  	v39 =	vand.u32 $0xC00, v61;
	v38 =	vand.u32 $0x7D, v60;
	[sflag:s28] =	ssyncset.done $0x0  }
0x162: {  	v38 =	vor.u32 v38, v39;
	[sflag:s28] =	ssyncadd.s32 $0xFFFFE000  }
0x163: {  	v39 =	vor.u32 v1, v38;
	v37 =	vld.idx.msk [tilespmem:v59+s11+$0x0], $0xffff  }
0x164: {  	v62 =	vor.u32 s13, v25;
	_ =	sdelay $0x3  }
0x165: {  	[tilespmem:v39+s21+$0x0] =	vst.idx.add.f32.msk $0xffff, v37  }
0x166: {  	v63 =	vor.u32 v3, v38;
	(v2sf) =	vpush @!p0 v36, $0x5;
	v37 =	vld.idx.msk [tilespmem:v62+s11+$0x0], $0xffff  }
0x167: {  	v44 =	vor.u32 s13, v26;
	_ =	sdelay $0x3  }
0x168: {  	[tilespmem:v63+s21+$0x0] =	vst.idx.add.f32.msk $0xffff, v37  }
0x169: {  	v45 =	vor.u32 v5, v38;
	v37 =	vld.idx.msk [tilespmem:v44+s11+$0x0], $0xffff  }
0x16a: {  	v46 =	vor.u32 s13, v27;
	_ =	sdelay $0x3  }
0x16b: {  	[tilespmem:v45+s21+$0x0] =	vst.idx.add.f32.msk $0xffff, v37  }
0x16c: {  	v38 =	vor.u32 v7, v38;
	v37 =	vld.idx.msk [tilespmem:v46+s11+$0x0], $0xffff;
	_ =	sdelay $0x2  }
0x16d: {  	s4 =	spop @!p0 (v2sf)  }
0x16e: {  	s15 =	sand.u32 $0x7F, s7;
	s4 =	sand.u32 @!p0 $0xFFFFF80, s4  }
0x16f: {  	s7 =	simm.s32 @!p0 $0xA200;
	s19 =	sadd.s32 $0xFFFFFFFF, s1;
	v47 =	vor.u32 s15, v28;
	s4 =	sadd.s32 @!p0 s0, s4;
	[tilespmem:v38+s21+$0x0] =	vst.idx.add.f32.msk $0xffff, v37  }
0x170: {  	v48 =	vmov s19;
	[tilespmem:s7], [sflag:$0x6] =	stream.strided.gather @!p0 [hbm4b:s4+s5], $0x2000, s31, s5, $0x38;
	[tilespmem:$0x18200] =	vst v63  }
0x171: {  	v49 =	vshll.u32 v48, $0x3;
	_ =	swait.ge [sflag:s29], $0x2000  }
0x172: {  	v39 =	vand.u32 $0xC00, v49;
	v38 =	vand.u32 $0x7E, v48;
	[sflag:s29] =	ssyncset.done $0x0  }
0x173: {  	v38 =	vor.u32 v38, v39;
	[sflag:s29] =	ssyncadd.s32 $0xFFFFE000  }
0x174: {  	v39 =	vor.u32 v1, v38;
	v37 =	vld.idx.msk [tilespmem:v47+s11+$0x0], $0xffff  }
0x175: {  	v50 =	vor.u32 s15, v29;
	_ =	sdelay $0x3  }
0x176: {  	[tilespmem:v39+s21+$0x0] =	vst.idx.add.f32.msk $0xffff, v37  }
0x177: {  	v51 =	vor.u32 v3, v38;
	(v2sf) =	vpush @!p0 v36, $0x6;
	v37 =	vld.idx.msk [tilespmem:v50+s11+$0x0], $0xffff  }
0x178: {  	v52 =	vor.u32 s15, v30;
	_ =	sdelay $0x3  }
0x179: {  	[tilespmem:v51+s21+$0x0] =	vst.idx.add.f32.msk $0xffff, v37  }
0x17a: {  	v53 =	vor.u32 v5, v38;
	v37 =	vld.idx.msk [tilespmem:v52+s11+$0x0], $0xffff  }
0x17b: {  	v54 =	vor.u32 s15, v31;
	_ =	sdelay $0x3  }
0x17c: {  	[tilespmem:v53+s21+$0x0] =	vst.idx.add.f32.msk $0xffff, v37  }
0x17d: {  	v38 =	vor.u32 v7, v38;
	v37 =	vld.idx.msk [tilespmem:v54+s11+$0x0], $0xffff;
	_ =	sdelay $0x2  }
0x17e: {  	s4 =	spop @!p0 (v2sf)  }
0x17f: {  	s2 =	sand.u32 $0x7F, s2;
	s4 =	sand.u32 @!p0 $0xFFFFF80, s4  }
0x180: {  	s6 =	simm.s32 @!p0 $0xC200;
	v55 =	vor.u32 s2, v32;
	s4 =	sadd.s32 @!p0 s0, s4;
	[tilespmem:v38+s21+$0x0] =	vst.idx.add.f32.msk $0xffff, v37  }
0x181: {  	v56 =	vmov s1;
	[tilespmem:s6], [sflag:$0x7] =	stream.strided.gather @!p0 [hbm4b:s4+s5], $0x2000, s31, s5, $0x38;
	[tilespmem:$0x18200] =	vst v63  }
0x182: {  	v57 =	vshll.u32 v56, $0x3;
	_ =	swait.ge [sflag:s30], $0x2000  }
0x183: {  	v39 =	vand.u32 $0xC00, v57;
	v38 =	vand.u32 $0x7F, v56;
	[sflag:s30] =	ssyncset.done $0x0  }
0x184: {  	v38 =	vor.u32 v38, v39;
	[sflag:s30] =	ssyncadd.s32 $0xFFFFE000  }
0x185: {  	v39 =	vor.u32 v1, v38;
	v37 =	vld.idx.msk [tilespmem:v55+s11+$0x0], $0xffff  }
0x186: {  	v58 =	vor.u32 s2, v33;
	_ =	sdelay $0x3  }
0x187: {  	[tilespmem:v39+s21+$0x0] =	vst.idx.add.f32.msk $0xffff, v37  }
0x188: {  	v59 =	vor.u32 v3, v38;
	(v2sf) =	vpush @!p0 v36, $0x7;
	v37 =	vld.idx.msk [tilespmem:v58+s11+$0x0], $0xffff  }
0x189: {  	v60 =	vor.u32 s2, v34;
	_ =	sdelay $0x3  }
0x18a: {  	[tilespmem:v59+s21+$0x0] =	vst.idx.add.f32.msk $0xffff, v37  }
0x18b: {  	v61 =	vor.u32 v5, v38;
	v36 =	vld.idx.msk [tilespmem:v60+s11+$0x0], $0xffff  }
0x18c: {  	v62 =	vor.u32 s2, v35;
	_ =	sdelay $0x3  }
0x18d: {  	s1 =	sadd.s32 @!p0 $0x10, s1;
	[tilespmem:v61+s21+$0x0] =	vst.idx.add.f32.msk $0xffff, v36  }
0x18e: {  	p1 =	sne.s32 @!p0 s1, $0x20F;
	v63 =	vor.u32 v7, v38;
	v36 =	vld.idx.msk [tilespmem:v62+s11+$0x0], $0xffff  }
0x18f: {  	p1 =	por p0, !p1  }
.Ltmp0:
0x190: {  	s20 =	sadd.s32 @!p0 $0x1, s20;
	(pc) =	sbr.rel @!p1 .LBB2_2-.Ltmp0, $4  }
0x191: {  	s3 =	sadd.s32 @!p0 $0x10, s3;
	s12 =	simm.s32 $0x8200;
	s2 =	spop @!p0 (v2sf)  }
0x192: {  	s8 =	simm.s32 $0x6200;
	s7 =	simm.s32 $0x4200;
	s2 =	sand.u32 @!p0 $0xFFFFF80, s2  }
0x193: {  	s6 =	simm.s32 $0x2200;
	s4 =	simm.s32 @!p0 $0xE200;
	s2 =	sadd.s32 @!p0 s0, s2;
	[tilespmem:v63+s21+$0x0] =	vst.idx.add.f32.msk $0xffff, v36  }
0x194: {  	[tilespmem:s4], [sflag:$0x8] =	stream.strided.gather @!p0 [hbm4b:s2+s5], $0x2000, s31, s5, $0x38;
	[tilespmem:$0x18200] =	vst v63  }
0x195: {  	s1 =	rddreg [dreg:$0x7]  }
0x196: {  	s3 =	simm.s32 $0x1000;
	s2 =	simm.s32 $0x20000;
	s4 =	simm.s32 $0x9  }
0x197: {  	[hbm4b:s1+s3] =	stream.strided.scatter [tilespmem:s21], [sflag:$0x9], $0x8000, s2, s3, $0x38;
	[tilespmem:$0x18200] =	vst v63  }
0x198: {  	_ =	swait.ge [sflag:s4], $0x8000  }
0x199: {  	s20 =	rddreg [dreg:$0x9]  }
0x19a: {  	s31 =	rddreg [dreg:$0x8];
	s2 =	sadd.s32 $0x1, s20  }
0x19b: {  	p0 =	sne.s32 s2, s31  }
.Ltmp1:
0x19c: {  	_ = 	snop;
	(pc) =	sbr.rel @p0 .LBB2_1-.Ltmp1, $3  }
0x19d: {  	_ =	sdelay $0x1  }
0x19e: {  	[sflag:s4] =	ssyncset.done $0x0  }
0x19f: {  	[sflag:s4] =	ssyncadd.s32 $0xFFFF8000  }
0x1a0: {  	_ =	sfence.sel $0x180000  }
0x1a1: {  	[bflag:$0x0] =	sbarrier.arrive $0xFFFF  }
0x1a2: {  	_ =	strace $0x90000047  }
0x1a3: {  	s0 =	stileid.u32;
	[bflag:$0x2] =	sbarrier.arrive $0xFFFF  }
0x1a4: {  	p0 =	sne.s32 s0, $0x0;
	s0 =	rddreg [dreg:$0x4]  }
0x1a5: {  	s0 =	sadd.s32 @!p0 $0x100000, s0  }
0x1a6: {  	[sflag:s0] =	ssyncadd.tile.s32 @!p0 $0x1;
	_ =	shalt  }
.Lfunc_end2:
_tile_overlayer_lowered:
.L_overlay_start_2:
0x1a7: {  	(tag) =	ssettag $0x2  }
0x1a8: {  	s0 =	rddreg [dreg:$0x0];
	s2 =	stileid.u32  }
0x1a9: {  	s1 =	rddreg [dreg:$0x1];
	p0 =	sne.s32 s2, $0x0  }
0x1aa: {  	s3 =	rddreg [dreg:$0x2];
	[bflag:$0x3] =	sbarrier.arrive $0xFFFF;
	s2 =	simm.s32 @!p0 $0x1C09  }
0x1ab: {  	[timem:s3], [sflag:s2] =	dma.local @!p0 [hbm:s0], s1  }
0x1ac: {  	s0 =	simm.s32 @!p0 $0x9  }
0x1ad: {  	_ =	swait.ge @!p0 [sflag:s0], s1  }
0x1ae: {  	s1 =	ssub.s32 @!p0 $0x0, s1;
	[sflag:s0] =	ssyncset.done @!p0 $0x0  }
0x1af: {  	[sflag:s0] =	ssyncadd.s32 @!p0 s1  }
0x1b0: {  	[bflag:$0x3] =	sbarrier.arrive $0xFFFF  }
0x1b1: {  	_ =	shalt  }

</sc_bundles>
